<compile_context>
chip_gen: v7x
topology: tpu7x:2x2x1
jax: 0.10.2.dev20260603
libtpu: 0.0.44.dev20260713+nightly
codegen_flags: <defaults>
</compile_context>

<pallas_src>
import functools

import jax
import jax.numpy as jnp
from jax import lax
from jax.experimental import pallas as pl
from jax.experimental.pallas import tpu as pltpu
from jax.experimental.pallas import tpu_sc as plsc

NN, EE, DD = 10000, 160000, 256
H = DD // 2
NC, NS, L = 2, 16, 16
NW = NC * NS

EPAD = 160256
EPW = EPAD // NW
NPAD = 10240
CW = NPAD // NS

EPT = EE // NS
K = 50
STEPS = EPT // K
NBUF = 4
RPT = NN // NS

_sc_mesh = plsc.VectorSubcoreMesh(core_axis_name="c", subcore_axis_name="s")
_sc_params = pltpu.CompilerParams(needs_layout_passes=False,
                                  use_tc_tiling_on_sc=False)


@functools.partial(
    pl.kernel,
    out_type=jax.ShapeDtypeStruct((NC, NPAD), jnp.int32),
    mesh=_sc_mesh,
    scratch_types=[
        pltpu.VMEM((EPW,), jnp.int32),
        pltpu.VMEM((NPAD,), jnp.int32),
        pltpu.VMEM((CW,), jnp.int32),
        pltpu.VMEM((CW,), jnp.int32),
        pltpu.VMEM_SHARED((NS, NPAD), jnp.int32),
    ],
    compiler_params=_sc_params,
)
def _degree_kernel(rows_hbm, out_hbm, rows_v, hist_v, acc_v, tmp_v, shared):
    c = lax.axis_index("c")
    s = lax.axis_index("s")
    wid = c * NS + s
    pltpu.sync_copy(rows_hbm.at[pl.ds(wid * EPW, EPW)], rows_v)
    zeros = jnp.zeros((L,), jnp.int32)
    ones = jnp.ones((L,), jnp.int32)

    def zbody(i, _):
        hist_v[pl.ds(i * L, L)] = zeros
        return _

    lax.fori_loop(0, NPAD // L, zbody, None)

    def hbody(i, _):
        idx = rows_v[pl.ds(i * L, L)]
        plsc.addupdate_scatter(hist_v, [idx], ones)
        return _

    lax.fori_loop(0, EPW // L, hbody, None)
    pltpu.sync_copy(hist_v, shared.at[s])
    plsc.subcore_barrier()

    def zbody2(i, _):
        acc_v[pl.ds(i * L, L)] = zeros
        return _

    lax.fori_loop(0, CW // L, zbody2, None)

    def rbody(k, _):
        pltpu.sync_copy(shared.at[k, pl.ds(s * CW, CW)], tmp_v)

        def abody(i, _):
            acc_v[pl.ds(i * L, L)] = acc_v[pl.ds(i * L, L)] + tmp_v[pl.ds(i * L, L)]
            return _

        lax.fori_loop(0, CW // L, abody, None)
        return _

    lax.fori_loop(0, NS, rbody, None)
    pltpu.sync_copy(acc_v, out_hbm.at[c, pl.ds(s * CW, CW)])


def _elu(x):
    return jnp.where(x > 0, x, jnp.exp(x) - 1.0)


def _deg_scales(hist_blk):
    deg = (hist_blk[0, :] + hist_blk[1, :] + 1).astype(jnp.float32)
    d05 = lax.rsqrt(deg)[:, None]
    d1 = (1.0 / deg)[:, None]
    return d05, d1


def _dense_body(x_ref, hist_ref, w0m_ref, b0m_ref, w0v_ref, b0v_ref,
                w1m_ref, b1m_ref, w1v_ref, b1v_ref, t_ref):
    x = x_ref[...]
    m0 = _elu(jnp.dot(x, w0m_ref[...], preferred_element_type=jnp.float32) + b0m_ref[...])
    m1 = _elu(jnp.dot(m0, w1m_ref[...], preferred_element_type=jnp.float32) + b1m_ref[...])
    v0 = jnp.maximum(jnp.dot(x, w0v_ref[...], preferred_element_type=jnp.float32) + b0v_ref[...], 0.0)
    v1 = jnp.maximum(jnp.dot(v0, w1v_ref[...], preferred_element_type=jnp.float32) + b1v_ref[...], 0.0) + 1e-6
    att = jnp.exp(-v1)
    ma = m1 * att
    va = v1 * (att * att)
    d05, d1 = _deg_scales(hist_ref[...])
    tm = d05 * ma
    tv = d1 * va
    t_ref[0] = tm[:, :H]
    t_ref[1] = tm[:, H:]
    t_ref[2] = tv[:, :H]
    t_ref[3] = tv[:, H:]


_R = 256
_GRID = NPAD // _R

_dense_call = pl.pallas_call(
    _dense_body,
    grid=(_GRID,),
    in_specs=[
        pl.BlockSpec((_R, DD), lambda i: (i, 0)),
        pl.BlockSpec((2, _R), lambda i: (0, i)),
        pl.BlockSpec((DD, DD), lambda i: (0, 0)),
        pl.BlockSpec((1, DD), lambda i: (0, 0)),
        pl.BlockSpec((DD, DD), lambda i: (0, 0)),
        pl.BlockSpec((1, DD), lambda i: (0, 0)),
        pl.BlockSpec((DD, DD), lambda i: (0, 0)),
        pl.BlockSpec((1, DD), lambda i: (0, 0)),
        pl.BlockSpec((DD, DD), lambda i: (0, 0)),
        pl.BlockSpec((1, DD), lambda i: (0, 0)),
    ],
    out_specs=pl.BlockSpec((4, _R, H), lambda i: (0, i, 0)),
    out_shape=jax.ShapeDtypeStruct((4, NN, H), jnp.float32),
)


@functools.partial(
    pl.kernel,
    out_type=jax.ShapeDtypeStruct((4, NN, H), jnp.float32),
    mesh=_sc_mesh,
    scratch_types=[
        pltpu.VMEM((STEPS, K), jnp.int32),
        pltpu.VMEM((STEPS, K), jnp.int32),
        pltpu.VMEM((NBUF, K, H), jnp.float32),
        pltpu.VMEM_SHARED((NN, H), jnp.float32),
        pltpu.SemaphoreType.DMA,
        pltpu.SemaphoreType.DMA,
    ],
    compiler_params=_sc_params,
)
def _spmm_kernel(t_hbm, col_hbm, row_hbm, acc_hbm, col_v, row_v, buf_v, acc_sh,
                 gsem, ssem):
    c = lax.axis_index("c")
    s = lax.axis_index("s")
    pltpu.sync_copy(col_hbm.at[s], col_v)
    pltpu.sync_copy(row_hbm.at[s], row_v)
    for phase in range(2):
        chunk = c + 2 * phase
        pltpu.sync_copy(t_hbm.at[chunk, pl.ds(s * RPT, RPT)],
                        acc_sh.at[pl.ds(s * RPT, RPT)])
        plsc.subcore_barrier()
        src = t_hbm.at[chunk]
        for b0 in range(NBUF - 1):
            pltpu.async_copy(src.at[col_v.at[b0]], buf_v.at[b0], gsem)

        def ebody(i, _):
            b = lax.rem(i, NBUF)
            pltpu.make_async_copy(src.at[col_v.at[i]], buf_v.at[b], gsem).wait()

            @pl.when(i + NBUF - 1 < STEPS)
            def _prefetch():
                pltpu.async_copy(src.at[col_v.at[i + NBUF - 1]],
                                 buf_v.at[lax.rem(i + NBUF - 1, NBUF)], gsem)

            return _

        lax.fori_loop(0, STEPS, ebody, None)
        plsc.subcore_barrier()
        pltpu.sync_copy(acc_sh.at[pl.ds(s * RPT, RPT)],
                        acc_hbm.at[chunk, pl.ds(s * RPT, RPT)])
        plsc.subcore_barrier()


def _final_body(acc_ref, hist_ref, smp_ref, o_ref):
    d05, d1 = _deg_scales(hist_ref[...])
    mean = d05 * jnp.concatenate([acc_ref[0], acc_ref[1]], axis=1)
    var = d1 * jnp.concatenate([acc_ref[2], acc_ref[3]], axis=1)
    out = mean + smp_ref[...] * jnp.sqrt(var)
    mx = jnp.max(out, axis=1, keepdims=True)
    lse = jnp.log(jnp.sum(jnp.exp(out - mx), axis=1, keepdims=True)) + mx
    o_ref[...] = out - lse


_final_call = pl.pallas_call(
    _final_body,
    grid=(_GRID,),
    in_specs=[
        pl.BlockSpec((4, _R, H), lambda i: (0, i, 0)),
        pl.BlockSpec((2, _R), lambda i: (0, i)),
        pl.BlockSpec((_R, DD), lambda i: (i, 0)),
    ],
    out_specs=pl.BlockSpec((_R, DD), lambda i: (i, 0)),
    out_shape=jax.ShapeDtypeStruct((NN, DD), jnp.float32),
)


def kernel(X, A, W, W0m, b0m, W0v, b0v, W1m, b1m, W1v, b1v):
    rows = A[0]
    cols = A[1]
    rows_pad = jnp.concatenate(
        [rows, jnp.full((EPAD - EE,), NN, jnp.int32)])
    hist = _degree_kernel(rows_pad)
    t = _dense_call(X, hist, W0m, b0m.reshape(1, DD), W0v, b0v.reshape(1, DD),
                    W1m, b1m.reshape(1, DD), W1v, b1v.reshape(1, DD))
    col3 = cols.reshape(NS, STEPS, K)
    row3 = rows.reshape(NS, STEPS, K)
    acc = _spmm_kernel(t, col3, row3)
    sample = jax.random.normal(jax.random.key(42), (NN, DD), jnp.float32)
    return _final_call(acc, hist, sample)

# --- scband reference (transcript-rebuilt; emitter-appended) ---
"""Pipeline reference for scband-robust-gcn-18674517803292 (READ-ONLY COPY).

The authoritative reference and input builder live on the scoring server;
editing this copy changes nothing except your own understanding.
"""

import jax, jax.numpy as jnp
import numpy as np

N, E, D = 10000, 160000, 256

def setup_inputs(seed: int = 0) -> dict:
    key = jax.random.key(seed)
    ks = jax.random.split(key, 12)
    X = jax.random.normal(ks[0], (N, D), dtype=jnp.float32)
    A = jax.random.randint(ks[1], (2, E), 0, N, dtype=jnp.int32)
    W = jax.random.normal(ks[2], (D, D), dtype=jnp.float32)
    s = 1.0 / np.sqrt(D)
    W0m = jax.random.uniform(ks[3], (D, D), jnp.float32, -s, s)
    b0m = jax.random.uniform(ks[4], (D,), jnp.float32, -s, s)
    W0v = jax.random.uniform(ks[5], (D, D), jnp.float32, -s, s)
    b0v = jax.random.uniform(ks[6], (D,), jnp.float32, -s, s)
    W1m = jax.random.uniform(ks[7], (D, D), jnp.float32, -s, s)
    b1m = jax.random.uniform(ks[8], (D,), jnp.float32, -s, s)
    W1v = jax.random.uniform(ks[9], (D, D), jnp.float32, -s, s)
    b1v = jax.random.uniform(ks[10], (D,), jnp.float32, -s, s)
    return {"X": X, "A": A, "W": W, "W0m": W0m, "b0m": b0m, "W0v": W0v, "b0v": b0v, "W1m": W1m, "b1m": b1m, "W1v": W1v, "b1v": b1v}

def reference(X, A, W, W0m, b0m, W0v, b0v, W1m, b1m, W1v, b1v):
    # A: edge_index [2, E]; add self-loops (fill_diag with 1.0)
    n = X.shape[0]
    loop = jnp.arange(n, dtype=A.dtype)
    row = jnp.concatenate([A[0], loop])
    col = jnp.concatenate([A[1], loop])
    vals = jnp.ones(row.shape[0], jnp.float32)
    deg = jax.ops.segment_sum(vals, row, num_segments=n)
    def norm_weights(order):
        dinv = jnp.power(deg, order)
        dinv = jnp.where(jnp.isinf(dinv), 0.0, dinv)
        return vals * dinv[row] * dinv[col]
    w0 = norm_weights(-0.5)  # adj0 = D^-1/2 A D^-1/2
    w1 = norm_weights(-1.0)  # adj1 = D^-1 A D^-1
    def spmm(w, x):
        return jax.ops.segment_sum(w[:, None] * x[col], row, num_segments=n)
    # layer 0 (initial=True); dropout in eval mode is identity
    mean = jax.nn.elu(X @ W0m + b0m)
    var = jax.nn.relu(X @ W0v + b0v)
    # layer 1 (initial=False)
    mean = jax.nn.elu(mean @ W1m + b1m)
    var = jax.nn.relu(var @ W1v + b1v) + 1e-6
    attention = jnp.exp(-var)
    mean = mean * attention
    var = var * attention * attention
    mean = spmm(w0, mean)
    var = spmm(w1, var)
    sample = jax.random.normal(jax.random.key(42), var.shape, jnp.float32)
    output = mean + sample * jnp.sqrt(var)
    return jax.nn.log_softmax(output, axis=-1)

if __name__ == "__main__":
    import jax
    _d = setup_inputs()
    print(jax.jit(kernel)(*tuple(_d.values())))

</pallas_src>

<mosaic_0001>
#map = affine_map<(d0, d1) -> (0)>
#map1 = affine_map<(d0, d1) -> (0, 0)>
module attributes {stable_mosaic.version = 14 : i64} {
  func.func @_degree_kernel(%arg0: i32, %arg1: i32, %arg2: memref<160256xi32, #tpu.memory_space<hbm>>, %arg3: memref<2x10240xi32, #tpu.memory_space<hbm>>, %arg4: memref<5008xi32, #tpu.memory_space<vmem>>, %arg5: memref<10240xi32, #tpu.memory_space<vmem>>, %arg6: memref<640xi32, #tpu.memory_space<vmem>>, %arg7: memref<640xi32, #tpu.memory_space<vmem>>, %arg8: memref<16x10240xi32, #tpu.memory_space<vmem_shared>>) attributes {dimension_semantics = [#tpu.dimension_semantics<core_parallel>, #tpu.dimension_semantics<subcore_parallel>], iteration_bounds = array<i64: 2, 16>, scalar_prefetch = 0 : i64, scratch_operands = 5 : i64, tpu.core_type = #tpu.core_type<sc_vector_subcore>, window_params = [{transform_indices = #map}, {transform_indices = #map1}]} {
    %mul3A = arith.constant 16 : i32
    %mul3A_0 = arith.muli %arg0, %mul3A : i32
    %add3A = arith.addi %mul3A_0, %arg1 : i32
    %mul3A_1 = arith.constant 5008 : i32
    %mul3A_2 = arith.muli %add3A, %mul3A_1 : i32
    "tpu.region"() ({
      %run_scoped3A = tpu.sem_alloc : memref<!tpu.dma_semaphore, #tpu.memory_space<semaphore_mem>>
      %dma_start3A = tpu.memref_slice %arg2[%mul3A_2] : memref<160256xi32, #tpu.memory_space<hbm>> -> memref<5008xi32, #tpu.memory_space<hbm>>
      %dma_start3A_27 = tpu.memref_slice %arg2[%mul3A_2] : memref<160256xi32, #tpu.memory_space<hbm>> -> memref<5008xi32, #tpu.memory_space<hbm>>
      tpu.enqueue_dma source(%dma_start3A_27 : memref<5008xi32, #tpu.memory_space<hbm>>) target(%arg4 : memref<5008xi32, #tpu.memory_space<vmem>>) target_semaphore(%run_scoped3A : memref<!tpu.dma_semaphore, #tpu.memory_space<semaphore_mem>>)
      %dma_wait3A = tpu.memref_slice %arg2[%mul3A_2] : memref<160256xi32, #tpu.memory_space<hbm>> -> memref<5008xi32, #tpu.memory_space<hbm>>
      %dma_wait3A_28 = tpu.memref_slice %arg2[%mul3A_2] : memref<160256xi32, #tpu.memory_space<hbm>> -> memref<5008xi32, #tpu.memory_space<hbm>>
      tpu.wait_dma2 semaphore(%run_scoped3A : memref<!tpu.dma_semaphore, #tpu.memory_space<semaphore_mem>>) src(%dma_wait3A_28 : memref<5008xi32, #tpu.memory_space<hbm>>) dst(%arg4 : memref<5008xi32, #tpu.memory_space<vmem>>)
      tpu.yield
    }) : () -> ()
    %broadcast_in_dim3A = arith.constant 0 : i32
    %broadcast_in_dim3A_3 = vector.broadcast %broadcast_in_dim3A : i32 to vector<16xi32>
    %broadcast_in_dim3A_4 = arith.constant 1 : i32
    %broadcast_in_dim3A_5 = vector.broadcast %broadcast_in_dim3A_4 : i32 to vector<16xi32>
    %scan3A = arith.constant 0 : i32
    %scan3A_6 = arith.constant 640 : i32
    %scan3A_7 = arith.addi %scan3A, %scan3A_6 : i32
    %scan3A_8 = arith.constant 1 : i32
    scf.for %scan3A_27 = %scan3A to %scan3A_7 step %scan3A_8  : i32 {
      %mul3A_28 = arith.constant 16 : i32
      %mul3A_29 = arith.muli %scan3A_27, %mul3A_28 : i32
      %swap3A = arith.index_cast %mul3A_29 : i32 to index
      %swap3A_30 = tpu.vector_load %arg5[%swap3A] {strides = array<i32>} : memref<10240xi32, #tpu.memory_space<vmem>>, vector<16xi32>,
      tpu.vector_store %arg5[%swap3A], %broadcast_in_dim3A_3 {strides = array<i32>} : memref<10240xi32, #tpu.memory_space<vmem>>, vector<16xi32>,
    }
    %scan3A_9 = arith.constant 640 : i32
    %scan3A_10 = arith.constant 0 : i32
    %scan3A_11 = arith.constant 313 : i32
    %scan3A_12 = arith.addi %scan3A_10, %scan3A_11 : i32
    %scan3A_13 = arith.constant 1 : i32
    scf.for %scan3A_27 = %scan3A_10 to %scan3A_12 step %scan3A_13  : i32 {
      %mul3A_28 = arith.constant 16 : i32
      %mul3A_29 = arith.muli %scan3A_27, %mul3A_28 : i32
      %get3A = arith.index_cast %mul3A_29 : i32 to index
      %get3A_30 = tpu.vector_load %arg4[%get3A] {strides = array<i32>} : memref<5008xi32, #tpu.memory_space<vmem>>, vector<16xi32>,
      tpu.vector_store_idx %arg5[%get3A_30], %broadcast_in_dim3A_5 {add = true} : memref<10240xi32, #tpu.memory_space<vmem>>[vector<16xi32>], vector<16xi32>,
    }
    %scan3A_14 = arith.constant 313 : i32
    "tpu.region"() ({
      %run_scoped3A = tpu.sem_alloc : memref<!tpu.dma_semaphore, #tpu.memory_space<semaphore_mem>>
      %dma_start3A = arith.constant 0 : i32
      %dma_start3A_27 = tpu.memref_slice %arg8[%arg1, %dma_start3A] : memref<16x10240xi32, #tpu.memory_space<vmem_shared>> -> memref<1x10240xi32, #tpu.memory_space<vmem_shared>>
      %dma_start3A_28 = tpu.memref_squeeze %dma_start3A_27 : memref<1x10240xi32, #tpu.memory_space<vmem_shared>> -> memref<10240xi32, #tpu.memory_space<vmem_shared>>
      %dma_start3A_29 = arith.constant 0 : i32
      %dma_start3A_30 = tpu.memref_slice %arg8[%arg1, %dma_start3A_29] : memref<16x10240xi32, #tpu.memory_space<vmem_shared>> -> memref<1x10240xi32, #tpu.memory_space<vmem_shared>>
      %dma_start3A_31 = tpu.memref_squeeze %dma_start3A_30 : memref<1x10240xi32, #tpu.memory_space<vmem_shared>> -> memref<10240xi32, #tpu.memory_space<vmem_shared>>
      tpu.enqueue_dma source(%arg5 : memref<10240xi32, #tpu.memory_space<vmem>>) target(%dma_start3A_31 : memref<10240xi32, #tpu.memory_space<vmem_shared>>) target_semaphore(%run_scoped3A : memref<!tpu.dma_semaphore, #tpu.memory_space<semaphore_mem>>)
      %dma_wait3A = arith.constant 0 : i32
      %dma_wait3A_32 = tpu.memref_slice %arg8[%arg1, %dma_wait3A] : memref<16x10240xi32, #tpu.memory_space<vmem_shared>> -> memref<1x10240xi32, #tpu.memory_space<vmem_shared>>
      %dma_wait3A_33 = tpu.memref_squeeze %dma_wait3A_32 : memref<1x10240xi32, #tpu.memory_space<vmem_shared>> -> memref<10240xi32, #tpu.memory_space<vmem_shared>>
      %dma_wait3A_34 = arith.constant 0 : i32
      %dma_wait3A_35 = tpu.memref_slice %arg8[%arg1, %dma_wait3A_34] : memref<16x10240xi32, #tpu.memory_space<vmem_shared>> -> memref<1x10240xi32, #tpu.memory_space<vmem_shared>>
      %dma_wait3A_36 = tpu.memref_squeeze %dma_wait3A_35 : memref<1x10240xi32, #tpu.memory_space<vmem_shared>> -> memref<10240xi32, #tpu.memory_space<vmem_shared>>
      tpu.wait_dma2 semaphore(%run_scoped3A : memref<!tpu.dma_semaphore, #tpu.memory_space<semaphore_mem>>) src(%arg5 : memref<10240xi32, #tpu.memory_space<vmem>>) dst(%dma_wait3A_36 : memref<10240xi32, #tpu.memory_space<vmem_shared>>)
      tpu.yield
    }) : () -> ()
    %barrier3A = arith.constant 0 : index
    tpu.barrier barrier_id(%barrier3A)
    %scan3A_15 = arith.constant 0 : i32
    %scan3A_16 = arith.constant 40 : i32
    %scan3A_17 = arith.addi %scan3A_15, %scan3A_16 : i32
    %scan3A_18 = arith.constant 1 : i32
    scf.for %scan3A_27 = %scan3A_15 to %scan3A_17 step %scan3A_18  : i32 {
      %mul3A_28 = arith.constant 16 : i32
      %mul3A_29 = arith.muli %scan3A_27, %mul3A_28 : i32
      %swap3A = arith.index_cast %mul3A_29 : i32 to index
      %swap3A_30 = tpu.vector_load %arg6[%swap3A] {strides = array<i32>} : memref<640xi32, #tpu.memory_space<vmem>>, vector<16xi32>,
      tpu.vector_store %arg6[%swap3A], %broadcast_in_dim3A_3 {strides = array<i32>} : memref<640xi32, #tpu.memory_space<vmem>>, vector<16xi32>,
    }
    %scan3A_19 = arith.constant 40 : i32
    %scan3A_20 = arith.constant 0 : i32
    %scan3A_21 = arith.constant 16 : i32
    %scan3A_22 = arith.addi %scan3A_20, %scan3A_21 : i32
    %scan3A_23 = arith.constant 1 : i32
    scf.for %scan3A_27 = %scan3A_20 to %scan3A_22 step %scan3A_23  : i32 {
      %mul3A_28 = arith.constant 640 : i32
      %mul3A_29 = arith.muli %arg1, %mul3A_28 : i32
      "tpu.region"() ({
        %run_scoped3A = tpu.sem_alloc : memref<!tpu.dma_semaphore, #tpu.memory_space<semaphore_mem>>
        %dma_start3A = tpu.memref_slice %arg8[%scan3A_27, %mul3A_29] : memref<16x10240xi32, #tpu.memory_space<vmem_shared>> -> memref<1x640xi32, #tpu.memory_space<vmem_shared>>
        %dma_start3A_35 = tpu.memref_squeeze %dma_start3A : memref<1x640xi32, #tpu.memory_space<vmem_shared>> -> memref<640xi32, #tpu.memory_space<vmem_shared>>
        %dma_start3A_36 = tpu.memref_slice %arg8[%scan3A_27, %mul3A_29] : memref<16x10240xi32, #tpu.memory_space<vmem_shared>> -> memref<1x640xi32, #tpu.memory_space<vmem_shared>>
        %dma_start3A_37 = tpu.memref_squeeze %dma_start3A_36 : memref<1x640xi32, #tpu.memory_space<vmem_shared>> -> memref<640xi32, #tpu.memory_space<vmem_shared>>
        tpu.enqueue_dma source(%dma_start3A_37 : memref<640xi32, #tpu.memory_space<vmem_shared>>) target(%arg7 : memref<640xi32, #tpu.memory_space<vmem>>) target_semaphore(%run_scoped3A : memref<!tpu.dma_semaphore, #tpu.memory_space<semaphore_mem>>)
        %dma_wait3A = tpu.memref_slice %arg8[%scan3A_27, %mul3A_29] : memref<16x10240xi32, #tpu.memory_space<vmem_shared>> -> memref<1x640xi32, #tpu.memory_space<vmem_shared>>
        %dma_wait3A_38 = tpu.memref_squeeze %dma_wait3A : memref<1x640xi32, #tpu.memory_space<vmem_shared>> -> memref<640xi32, #tpu.memory_space<vmem_shared>>
        %dma_wait3A_39 = tpu.memref_slice %arg8[%scan3A_27, %mul3A_29] : memref<16x10240xi32, #tpu.memory_space<vmem_shared>> -> memref<1x640xi32, #tpu.memory_space<vmem_shared>>
        %dma_wait3A_40 = tpu.memref_squeeze %dma_wait3A_39 : memref<1x640xi32, #tpu.memory_space<vmem_shared>> -> memref<640xi32, #tpu.memory_space<vmem_shared>>
        tpu.wait_dma2 semaphore(%run_scoped3A : memref<!tpu.dma_semaphore, #tpu.memory_space<semaphore_mem>>) src(%dma_wait3A_40 : memref<640xi32, #tpu.memory_space<vmem_shared>>) dst(%arg7 : memref<640xi32, #tpu.memory_space<vmem>>)
        tpu.yield
      }) : () -> ()
      %scan3A_30 = arith.constant 0 : i32
      %scan3A_31 = arith.constant 40 : i32
      %scan3A_32 = arith.addi %scan3A_30, %scan3A_31 : i32
      %scan3A_33 = arith.constant 1 : i32
      scf.for %scan3A_35 = %scan3A_30 to %scan3A_32 step %scan3A_33  : i32 {
        %mul3A_36 = arith.constant 16 : i32
        %mul3A_37 = arith.muli %scan3A_35, %mul3A_36 : i32
        %get3A = arith.index_cast %mul3A_37 : i32 to index
        %get3A_38 = tpu.vector_load %arg6[%get3A] {strides = array<i32>} : memref<640xi32, #tpu.memory_space<vmem>>, vector<16xi32>,
        %mul3A_39 = arith.constant 16 : i32
        %mul3A_40 = arith.muli %scan3A_35, %mul3A_39 : i32
        %get3A_41 = arith.index_cast %mul3A_40 : i32 to index
        %get3A_42 = tpu.vector_load %arg7[%get3A_41] {strides = array<i32>} : memref<640xi32, #tpu.memory_space<vmem>>, vector<16xi32>,
        %add3A_43 = arith.addi %get3A_38, %get3A_42 : vector<16xi32>
        %mul3A_44 = arith.constant 16 : i32
        %mul3A_45 = arith.muli %scan3A_35, %mul3A_44 : i32
        %swap3A = arith.index_cast %mul3A_45 : i32 to index
        %swap3A_46 = tpu.vector_load %arg6[%swap3A] {strides = array<i32>} : memref<640xi32, #tpu.memory_space<vmem>>, vector<16xi32>,
        tpu.vector_store %arg6[%swap3A], %add3A_43 {strides = array<i32>} : memref<640xi32, #tpu.memory_space<vmem>>, vector<16xi32>,
      }
      %scan3A_34 = arith.constant 40 : i32
    }
    %scan3A_24 = arith.constant 16 : i32
    %mul3A_25 = arith.constant 640 : i32
    %mul3A_26 = arith.muli %arg1, %mul3A_25 : i32
    "tpu.region"() ({
      %run_scoped3A = tpu.sem_alloc : memref<!tpu.dma_semaphore, #tpu.memory_space<semaphore_mem>>
      %dma_start3A = tpu.memref_slice %arg3[%arg0, %mul3A_26] : memref<2x10240xi32, #tpu.memory_space<hbm>> -> memref<1x640xi32, #tpu.memory_space<hbm>>
      %dma_start3A_27 = tpu.memref_squeeze %dma_start3A : memref<1x640xi32, #tpu.memory_space<hbm>> -> memref<640xi32, #tpu.memory_space<hbm>>
      %dma_start3A_28 = tpu.memref_slice %arg3[%arg0, %mul3A_26] : memref<2x10240xi32, #tpu.memory_space<hbm>> -> memref<1x640xi32, #tpu.memory_space<hbm>>
      %dma_start3A_29 = tpu.memref_squeeze %dma_start3A_28 : memref<1x640xi32, #tpu.memory_space<hbm>> -> memref<640xi32, #tpu.memory_space<hbm>>
      tpu.enqueue_dma source(%arg6 : memref<640xi32, #tpu.memory_space<vmem>>) target(%dma_start3A_29 : memref<640xi32, #tpu.memory_space<hbm>>) target_semaphore(%run_scoped3A : memref<!tpu.dma_semaphore, #tpu.memory_space<semaphore_mem>>)
      %dma_wait3A = tpu.memref_slice %arg3[%arg0, %mul3A_26] : memref<2x10240xi32, #tpu.memory_space<hbm>> -> memref<1x640xi32, #tpu.memory_space<hbm>>
      %dma_wait3A_30 = tpu.memref_squeeze %dma_wait3A : memref<1x640xi32, #tpu.memory_space<hbm>> -> memref<640xi32, #tpu.memory_space<hbm>>
      %dma_wait3A_31 = tpu.memref_slice %arg3[%arg0, %mul3A_26] : memref<2x10240xi32, #tpu.memory_space<hbm>> -> memref<1x640xi32, #tpu.memory_space<hbm>>
      %dma_wait3A_32 = tpu.memref_squeeze %dma_wait3A_31 : memref<1x640xi32, #tpu.memory_space<hbm>> -> memref<640xi32, #tpu.memory_space<hbm>>
      tpu.wait_dma2 semaphore(%run_scoped3A : memref<!tpu.dma_semaphore, #tpu.memory_space<semaphore_mem>>) src(%arg6 : memref<640xi32, #tpu.memory_space<vmem>>) dst(%dma_wait3A_32 : memref<640xi32, #tpu.memory_space<hbm>>)
      tpu.yield
    }) : () -> ()
    return
  }
}

#map = affine_map<(d0, d1) -> (0, 0, 0)>
module attributes {stable_mosaic.version = 14 : i64} {
  func.func @_spmm_kernel(%arg0: i32, %arg1: i32, %arg2: memref<4x10000x128xf32, #tpu.memory_space<hbm>>, %arg3: memref<16x200x50xi32, #tpu.memory_space<hbm>>, %arg4: memref<16x200x50xi32, #tpu.memory_space<hbm>>, %arg5: memref<4x10000x128xf32, #tpu.memory_space<hbm>>, %arg6: memref<200x50xi32, #tpu.memory_space<vmem>>, %arg7: memref<200x50xi32, #tpu.memory_space<vmem>>, %arg8: memref<4x50x128xf32, #tpu.memory_space<vmem>>, %arg9: memref<10000x128xf32, #tpu.memory_space<vmem_shared>>, %arg10: memref<!tpu.dma_semaphore, #tpu.memory_space<semaphore_mem>>, %arg11: memref<!tpu.dma_semaphore, #tpu.memory_space<semaphore_mem>>) attributes {dimension_semantics = [#tpu.dimension_semantics<core_parallel>, #tpu.dimension_semantics<subcore_parallel>], iteration_bounds = array<i64: 2, 16>, scalar_prefetch = 0 : i64, scratch_operands = 6 : i64, tpu.core_type = #tpu.core_type<sc_vector_subcore>, window_params = [{transform_indices = #map}, {transform_indices = #map}, {transform_indices = #map}, {transform_indices = #map}]} {
    "tpu.region"() ({
      %run_scoped3A = tpu.sem_alloc : memref<!tpu.dma_semaphore, #tpu.memory_space<semaphore_mem>>
      %dma_start3A_127 = arith.constant 0 : i32
      %dma_start3A_128 = arith.constant 0 : i32
      %dma_start3A_129 = tpu.memref_slice %arg3[%arg1, %dma_start3A_127, %dma_start3A_128] : memref<16x200x50xi32, #tpu.memory_space<hbm>> -> memref<1x200x50xi32, #tpu.memory_space<hbm>>
      %dma_start3A_130 = tpu.memref_squeeze %dma_start3A_129 : memref<1x200x50xi32, #tpu.memory_space<hbm>> -> memref<200x50xi32, #tpu.memory_space<hbm>>
      %dma_start3A_131 = arith.constant 0 : i32
      %dma_start3A_132 = arith.constant 0 : i32
      %dma_start3A_133 = tpu.memref_slice %arg3[%arg1, %dma_start3A_131, %dma_start3A_132] : memref<16x200x50xi32, #tpu.memory_space<hbm>> -> memref<1x200x50xi32, #tpu.memory_space<hbm>>
      %dma_start3A_134 = tpu.memref_squeeze %dma_start3A_133 : memref<1x200x50xi32, #tpu.memory_space<hbm>> -> memref<200x50xi32, #tpu.memory_space<hbm>>
      tpu.enqueue_dma source(%dma_start3A_134 : memref<200x50xi32, #tpu.memory_space<hbm>>) target(%arg6 : memref<200x50xi32, #tpu.memory_space<vmem>>) target_semaphore(%run_scoped3A : memref<!tpu.dma_semaphore, #tpu.memory_space<semaphore_mem>>)
      %dma_wait3A = arith.constant 0 : i32
      %dma_wait3A_135 = arith.constant 0 : i32
      %dma_wait3A_136 = tpu.memref_slice %arg3[%arg1, %dma_wait3A, %dma_wait3A_135] : memref<16x200x50xi32, #tpu.memory_space<hbm>> -> memref<1x200x50xi32, #tpu.memory_space<hbm>>
      %dma_wait3A_137 = tpu.memref_squeeze %dma_wait3A_136 : memref<1x200x50xi32, #tpu.memory_space<hbm>> -> memref<200x50xi32, #tpu.memory_space<hbm>>
      %dma_wait3A_138 = arith.constant 0 : i32
      %dma_wait3A_139 = arith.constant 0 : i32
      %dma_wait3A_140 = tpu.memref_slice %arg3[%arg1, %dma_wait3A_138, %dma_wait3A_139] : memref<16x200x50xi32, #tpu.memory_space<hbm>> -> memref<1x200x50xi32, #tpu.memory_space<hbm>>
      %dma_wait3A_141 = tpu.memref_squeeze %dma_wait3A_140 : memref<1x200x50xi32, #tpu.memory_space<hbm>> -> memref<200x50xi32, #tpu.memory_space<hbm>>
      tpu.wait_dma2 semaphore(%run_scoped3A : memref<!tpu.dma_semaphore, #tpu.memory_space<semaphore_mem>>) src(%dma_wait3A_141 : memref<200x50xi32, #tpu.memory_space<hbm>>) dst(%arg6 : memref<200x50xi32, #tpu.memory_space<vmem>>)
      tpu.yield
    }) : () -> ()
    "tpu.region"() ({
      %run_scoped3A = tpu.sem_alloc : memref<!tpu.dma_semaphore, #tpu.memory_space<semaphore_mem>>
      %dma_start3A_127 = arith.constant 0 : i32
      %dma_start3A_128 = arith.constant 0 : i32
      %dma_start3A_129 = tpu.memref_slice %arg4[%arg1, %dma_start3A_127, %dma_start3A_128] : memref<16x200x50xi32, #tpu.memory_space<hbm>> -> memref<1x200x50xi32, #tpu.memory_space<hbm>>
      %dma_start3A_130 = tpu.memref_squeeze %dma_start3A_129 : memref<1x200x50xi32, #tpu.memory_space<hbm>> -> memref<200x50xi32, #tpu.memory_space<hbm>>
      %dma_start3A_131 = arith.constant 0 : i32
      %dma_start3A_132 = arith.constant 0 : i32
      %dma_start3A_133 = tpu.memref_slice %arg4[%arg1, %dma_start3A_131, %dma_start3A_132] : memref<16x200x50xi32, #tpu.memory_space<hbm>> -> memref<1x200x50xi32, #tpu.memory_space<hbm>>
      %dma_start3A_134 = tpu.memref_squeeze %dma_start3A_133 : memref<1x200x50xi32, #tpu.memory_space<hbm>> -> memref<200x50xi32, #tpu.memory_space<hbm>>
      tpu.enqueue_dma source(%dma_start3A_134 : memref<200x50xi32, #tpu.memory_space<hbm>>) target(%arg7 : memref<200x50xi32, #tpu.memory_space<vmem>>) target_semaphore(%run_scoped3A : memref<!tpu.dma_semaphore, #tpu.memory_space<semaphore_mem>>)
      %dma_wait3A = arith.constant 0 : i32
      %dma_wait3A_135 = arith.constant 0 : i32
      %dma_wait3A_136 = tpu.memref_slice %arg4[%arg1, %dma_wait3A, %dma_wait3A_135] : memref<16x200x50xi32, #tpu.memory_space<hbm>> -> memref<1x200x50xi32, #tpu.memory_space<hbm>>
      %dma_wait3A_137 = tpu.memref_squeeze %dma_wait3A_136 : memref<1x200x50xi32, #tpu.memory_space<hbm>> -> memref<200x50xi32, #tpu.memory_space<hbm>>
      %dma_wait3A_138 = arith.constant 0 : i32
      %dma_wait3A_139 = arith.constant 0 : i32
      %dma_wait3A_140 = tpu.memref_slice %arg4[%arg1, %dma_wait3A_138, %dma_wait3A_139] : memref<16x200x50xi32, #tpu.memory_space<hbm>> -> memref<1x200x50xi32, #tpu.memory_space<hbm>>
      %dma_wait3A_141 = tpu.memref_squeeze %dma_wait3A_140 : memref<1x200x50xi32, #tpu.memory_space<hbm>> -> memref<200x50xi32, #tpu.memory_space<hbm>>
      tpu.wait_dma2 semaphore(%run_scoped3A : memref<!tpu.dma_semaphore, #tpu.memory_space<semaphore_mem>>) src(%dma_wait3A_141 : memref<200x50xi32, #tpu.memory_space<hbm>>) dst(%arg7 : memref<200x50xi32, #tpu.memory_space<vmem>>)
      tpu.yield
    }) : () -> ()
    %add3A = arith.constant 0 : i32
    %add3A_0 = arith.addi %arg0, %add3A : i32
    %mul3A = arith.constant 625 : i32
    %mul3A_1 = arith.muli %arg1, %mul3A : i32
    %mul3A_2 = arith.constant 625 : i32
    %mul3A_3 = arith.muli %arg1, %mul3A_2 : i32
    "tpu.region"() ({
      %run_scoped3A = tpu.sem_alloc : memref<!tpu.dma_semaphore, #tpu.memory_space<semaphore_mem>>
      %dma_start3A_127 = arith.constant 0 : i32
      %dma_start3A_128 = tpu.memref_slice %arg9[%mul3A_3, %dma_start3A_127] : memref<10000x128xf32, #tpu.memory_space<vmem_shared>> -> memref<625x128xf32, #tpu.memory_space<vmem_shared>>
      %dma_start3A_129 = arith.constant 0 : i32
      %dma_start3A_130 = tpu.memref_slice %arg2[%add3A_0, %mul3A_1, %dma_start3A_129] : memref<4x10000x128xf32, #tpu.memory_space<hbm>> -> memref<1x625x128xf32, #tpu.memory_space<hbm>>
      %dma_start3A_131 = tpu.memref_squeeze %dma_start3A_130 : memref<1x625x128xf32, #tpu.memory_space<hbm>> -> memref<625x128xf32, #tpu.memory_space<hbm>>
      tpu.enqueue_dma source(%dma_start3A_131 : memref<625x128xf32, #tpu.memory_space<hbm>>) target(%dma_start3A_128 : memref<625x128xf32, #tpu.memory_space<vmem_shared>>) target_semaphore(%run_scoped3A : memref<!tpu.dma_semaphore, #tpu.memory_space<semaphore_mem>>)
      %dma_wait3A = arith.constant 0 : i32
      %dma_wait3A_132 = tpu.memref_slice %arg9[%mul3A_3, %dma_wait3A] : memref<10000x128xf32, #tpu.memory_space<vmem_shared>> -> memref<625x128xf32, #tpu.memory_space<vmem_shared>>
      %dma_wait3A_133 = arith.constant 0 : i32
      %dma_wait3A_134 = tpu.memref_slice %arg2[%add3A_0, %mul3A_1, %dma_wait3A_133] : memref<4x10000x128xf32, #tpu.memory_space<hbm>> -> memref<1x625x128xf32, #tpu.memory_space<hbm>>
      %dma_wait3A_135 = tpu.memref_squeeze %dma_wait3A_134 : memref<1x625x128xf32, #tpu.memory_space<hbm>> -> memref<625x128xf32, #tpu.memory_space<hbm>>
      tpu.wait_dma2 semaphore(%run_scoped3A : memref<!tpu.dma_semaphore, #tpu.memory_space<semaphore_mem>>) src(%dma_wait3A_135 : memref<625x128xf32, #tpu.memory_space<hbm>>) dst(%dma_wait3A_132 : memref<625x128xf32, #tpu.memory_space<vmem_shared>>)
      tpu.yield
    }) : () -> ()
    %barrier3A = arith.constant 0 : index
    tpu.barrier barrier_id(%barrier3A)
    %dma_start3A = arith.constant 0 : i32
    %dma_start3A_4 = arith.constant 0 : i32
    %dma_start3A_5 = arith.constant 0 : i32
    %dma_start3A_6 = arith.constant 0 : i32
    %dma_start3A_7 = tpu.memref_slice %arg8[%dma_start3A_4, %dma_start3A_5, %dma_start3A_6] : memref<4x50x128xf32, #tpu.memory_space<vmem>> -> memref<1x50x128xf32, #tpu.memory_space<vmem>>
    %dma_start3A_8 = tpu.memref_squeeze %dma_start3A_7 : memref<1x50x128xf32, #tpu.memory_space<vmem>> -> memref<50x128xf32, #tpu.memory_space<vmem>>
    %dma_start3A_9 = arith.constant 0 : i32
    %dma_start3A_10 = tpu.memref_slice %arg6[%dma_start3A, %dma_start3A_9] : memref<200x50xi32, #tpu.memory_space<vmem>> -> memref<1x50xi32, #tpu.memory_space<vmem>>
    %dma_start3A_11 = tpu.memref_squeeze %dma_start3A_10 : memref<1x50xi32, #tpu.memory_space<vmem>> -> memref<50xi32, #tpu.memory_space<vmem>>
    %dma_start3A_12 = arith.constant 0 : i32
    %dma_start3A_13 = arith.constant 0 : i32
    %dma_start3A_14 = tpu.memref_slice %arg2[%add3A_0, %dma_start3A_12, %dma_start3A_13] : memref<4x10000x128xf32, #tpu.memory_space<hbm>> -> memref<1x10000x128xf32, #tpu.memory_space<hbm>>
    %dma_start3A_15 = tpu.memref_squeeze %dma_start3A_14 : memref<1x10000x128xf32, #tpu.memory_space<hbm>> -> memref<10000x128xf32, #tpu.memory_space<hbm>>
    %dma_start3A_16 = arith.constant 0 : i32
    %dma_start3A_17 = arith.constant 0 : i32
    %dma_start3A_18 = tpu.memref_slice %dma_start3A_15[%dma_start3A_16, %dma_start3A_17] : memref<10000x128xf32, #tpu.memory_space<hbm>> -> memref<10000x128xf32, #tpu.memory_space<hbm>>
    tpu.enqueue_indirect_dma source(%dma_start3A_18 : memref<10000x128xf32, #tpu.memory_space<hbm>>) target(%dma_start3A_8 : memref<50x128xf32, #tpu.memory_space<vmem>>) offsets(%dma_start3A_11 : memref<50xi32, #tpu.memory_space<vmem>>) semaphore(%arg10 : memref<!tpu.dma_semaphore, #tpu.memory_space<semaphore_mem>>)
    %dma_start3A_19 = arith.constant 1 : i32
    %dma_start3A_20 = arith.constant 1 : i32
    %dma_start3A_21 = arith.constant 0 : i32
    %dma_start3A_22 = arith.constant 0 : i32
    %dma_start3A_23 = tpu.memref_slice %arg8[%dma_start3A_20, %dma_start3A_21, %dma_start3A_22] : memref<4x50x128xf32, #tpu.memory_space<vmem>> -> memref<1x50x128xf32, #tpu.memory_space<vmem>>
    %dma_start3A_24 = tpu.memref_squeeze %dma_start3A_23 : memref<1x50x128xf32, #tpu.memory_space<vmem>> -> memref<50x128xf32, #tpu.memory_space<vmem>>
    %dma_start3A_25 = arith.constant 0 : i32
    %dma_start3A_26 = tpu.memref_slice %arg6[%dma_start3A_19, %dma_start3A_25] : memref<200x50xi32, #tpu.memory_space<vmem>> -> memref<1x50xi32, #tpu.memory_space<vmem>>
    %dma_start3A_27 = tpu.memref_squeeze %dma_start3A_26 : memref<1x50xi32, #tpu.memory_space<vmem>> -> memref<50xi32, #tpu.memory_space<vmem>>
    %dma_start3A_28 = arith.constant 0 : i32
    %dma_start3A_29 = arith.constant 0 : i32
    %dma_start3A_30 = tpu.memref_slice %arg2[%add3A_0, %dma_start3A_28, %dma_start3A_29] : memref<4x10000x128xf32, #tpu.memory_space<hbm>> -> memref<1x10000x128xf32, #tpu.memory_space<hbm>>
    %dma_start3A_31 = tpu.memref_squeeze %dma_start3A_30 : memref<1x10000x128xf32, #tpu.memory_space<hbm>> -> memref<10000x128xf32, #tpu.memory_space<hbm>>
    %dma_start3A_32 = arith.constant 0 : i32
    %dma_start3A_33 = arith.constant 0 : i32
    %dma_start3A_34 = tpu.memref_slice %dma_start3A_31[%dma_start3A_32, %dma_start3A_33] : memref<10000x128xf32, #tpu.memory_space<hbm>> -> memref<10000x128xf32, #tpu.memory_space<hbm>>
    tpu.enqueue_indirect_dma source(%dma_start3A_34 : memref<10000x128xf32, #tpu.memory_space<hbm>>) target(%dma_start3A_24 : memref<50x128xf32, #tpu.memory_space<vmem>>) offsets(%dma_start3A_27 : memref<50xi32, #tpu.memory_space<vmem>>) semaphore(%arg10 : memref<!tpu.dma_semaphore, #tpu.memory_space<semaphore_mem>>)
    %dma_start3A_35 = arith.constant 2 : i32
    %dma_start3A_36 = arith.constant 2 : i32
    %dma_start3A_37 = arith.constant 0 : i32
    %dma_start3A_38 = arith.constant 0 : i32
    %dma_start3A_39 = tpu.memref_slice %arg8[%dma_start3A_36, %dma_start3A_37, %dma_start3A_38] : memref<4x50x128xf32, #tpu.memory_space<vmem>> -> memref<1x50x128xf32, #tpu.memory_space<vmem>>
    %dma_start3A_40 = tpu.memref_squeeze %dma_start3A_39 : memref<1x50x128xf32, #tpu.memory_space<vmem>> -> memref<50x128xf32, #tpu.memory_space<vmem>>
    %dma_start3A_41 = arith.constant 0 : i32
    %dma_start3A_42 = tpu.memref_slice %arg6[%dma_start3A_35, %dma_start3A_41] : memref<200x50xi32, #tpu.memory_space<vmem>> -> memref<1x50xi32, #tpu.memory_space<vmem>>
    %dma_start3A_43 = tpu.memref_squeeze %dma_start3A_42 : memref<1x50xi32, #tpu.memory_space<vmem>> -> memref<50xi32, #tpu.memory_space<vmem>>
    %dma_start3A_44 = arith.constant 0 : i32
    %dma_start3A_45 = arith.constant 0 : i32
    %dma_start3A_46 = tpu.memref_slice %arg2[%add3A_0, %dma_start3A_44, %dma_start3A_45] : memref<4x10000x128xf32, #tpu.memory_space<hbm>> -> memref<1x10000x128xf32, #tpu.memory_space<hbm>>
    %dma_start3A_47 = tpu.memref_squeeze %dma_start3A_46 : memref<1x10000x128xf32, #tpu.memory_space<hbm>> -> memref<10000x128xf32, #tpu.memory_space<hbm>>
    %dma_start3A_48 = arith.constant 0 : i32
    %dma_start3A_49 = arith.constant 0 : i32
    %dma_start3A_50 = tpu.memref_slice %dma_start3A_47[%dma_start3A_48, %dma_start3A_49] : memref<10000x128xf32, #tpu.memory_space<hbm>> -> memref<10000x128xf32, #tpu.memory_space<hbm>>
    tpu.enqueue_indirect_dma source(%dma_start3A_50 : memref<10000x128xf32, #tpu.memory_space<hbm>>) target(%dma_start3A_40 : memref<50x128xf32, #tpu.memory_space<vmem>>) offsets(%dma_start3A_43 : memref<50xi32, #tpu.memory_space<vmem>>) semaphore(%arg10 : memref<!tpu.dma_semaphore, #tpu.memory_space<semaphore_mem>>)
    %scan3A = arith.constant 0 : i32
    %scan3A_51 = arith.constant 200 : i32
    %scan3A_52 = arith.addi %scan3A, %scan3A_51 : i32
    %scan3A_53 = arith.constant 1 : i32
    scf.for %scan3A_127 = %scan3A to %scan3A_52 step %scan3A_53  : i32 {
      %rem3A = arith.constant 4 : i32
      %rem3A_128 = arith.remsi %scan3A_127, %rem3A : i32
      %dma_wait3A = arith.constant 0 : i32
      %dma_wait3A_129 = arith.constant 0 : i32
      %dma_wait3A_130 = tpu.memref_slice %arg8[%rem3A_128, %dma_wait3A, %dma_wait3A_129] : memref<4x50x128xf32, #tpu.memory_space<vmem>> -> memref<1x50x128xf32, #tpu.memory_space<vmem>>
      %dma_wait3A_131 = tpu.memref_squeeze %dma_wait3A_130 : memref<1x50x128xf32, #tpu.memory_space<vmem>> -> memref<50x128xf32, #tpu.memory_space<vmem>>
      %dma_wait3A_132 = arith.constant 0 : i32
      %dma_wait3A_133 = tpu.memref_slice %arg6[%scan3A_127, %dma_wait3A_132] : memref<200x50xi32, #tpu.memory_space<vmem>> -> memref<1x50xi32, #tpu.memory_space<vmem>>
      %dma_wait3A_134 = tpu.memref_squeeze %dma_wait3A_133 : memref<1x50xi32, #tpu.memory_space<vmem>> -> memref<50xi32, #tpu.memory_space<vmem>>
      %dma_wait3A_135 = arith.constant 0 : i32
      %dma_wait3A_136 = arith.constant 0 : i32
      %dma_wait3A_137 = tpu.memref_slice %arg2[%add3A_0, %dma_wait3A_135, %dma_wait3A_136] : memref<4x10000x128xf32, #tpu.memory_space<hbm>> -> memref<1x10000x128xf32, #tpu.memory_space<hbm>>
      %dma_wait3A_138 = tpu.memref_squeeze %dma_wait3A_137 : memref<1x10000x128xf32, #tpu.memory_space<hbm>> -> memref<10000x128xf32, #tpu.memory_space<hbm>>
      %dma_wait3A_139 = arith.constant 0 : i32
      %dma_wait3A_140 = arith.constant 0 : i32
      %dma_wait3A_141 = tpu.memref_slice %dma_wait3A_138[%dma_wait3A_139, %dma_wait3A_140] : memref<10000x128xf32, #tpu.memory_space<hbm>> -> memref<10000x128xf32, #tpu.memory_space<hbm>>
      tpu.wait_indirect_dma semaphore(%arg10 : memref<!tpu.dma_semaphore, #tpu.memory_space<semaphore_mem>>) src(%dma_wait3A_141 : memref<10000x128xf32, #tpu.memory_space<hbm>>) dst(%dma_wait3A_131 : memref<50x128xf32, #tpu.memory_space<vmem>>)
      %add3A_142 = arith.constant 4 : i32
      %add3A_143 = arith.addi %scan3A_127, %add3A_142 : i32
      %sub3A = arith.constant 1 : i32
      %sub3A_144 = arith.subi %add3A_143, %sub3A : i32
      %lt3A = arith.constant 200 : i32
      %lt3A_145 = arith.cmpi slt, %sub3A_144, %lt3A : i32
      %convert_element_type3A = arith.extui %lt3A_145 : i1 to i32
      %cond3A = arith.constant 0 : i32
      %cond3A_146 = arith.cmpi ne, %convert_element_type3A, %cond3A : i32
      scf.if %cond3A_146 {
        %add3A_147 = arith.constant 4 : i32
        %add3A_148 = arith.addi %scan3A_127, %add3A_147 : i32
        %sub3A_149 = arith.constant 1 : i32
        %sub3A_150 = arith.subi %add3A_148, %sub3A_149 : i32
        %add3A_151 = arith.constant 4 : i32
        %add3A_152 = arith.addi %scan3A_127, %add3A_151 : i32
        %sub3A_153 = arith.constant 1 : i32
        %sub3A_154 = arith.subi %add3A_152, %sub3A_153 : i32
        %rem3A_155 = arith.constant 4 : i32
        %rem3A_156 = arith.remsi %sub3A_154, %rem3A_155 : i32
        %dma_start3A_157 = arith.constant 0 : i32
        %dma_start3A_158 = arith.constant 0 : i32
        %dma_start3A_159 = tpu.memref_slice %arg8[%rem3A_156, %dma_start3A_157, %dma_start3A_158] : memref<4x50x128xf32, #tpu.memory_space<vmem>> -> memref<1x50x128xf32, #tpu.memory_space<vmem>>
        %dma_start3A_160 = tpu.memref_squeeze %dma_start3A_159 : memref<1x50x128xf32, #tpu.memory_space<vmem>> -> memref<50x128xf32, #tpu.memory_space<vmem>>
        %dma_start3A_161 = arith.constant 0 : i32
        %dma_start3A_162 = tpu.memref_slice %arg6[%sub3A_150, %dma_start3A_161] : memref<200x50xi32, #tpu.memory_space<vmem>> -> memref<1x50xi32, #tpu.memory_space<vmem>>
        %dma_start3A_163 = tpu.memref_squeeze %dma_start3A_162 : memref<1x50xi32, #tpu.memory_space<vmem>> -> memref<50xi32, #tpu.memory_space<vmem>>
        %dma_start3A_164 = arith.constant 0 : i32
        %dma_start3A_165 = arith.constant 0 : i32
        %dma_start3A_166 = tpu.memref_slice %arg2[%add3A_0, %dma_start3A_164, %dma_start3A_165] : memref<4x10000x128xf32, #tpu.memory_space<hbm>> -> memref<1x10000x128xf32, #tpu.memory_space<hbm>>
        %dma_start3A_167 = tpu.memref_squeeze %dma_start3A_166 : memref<1x10000x128xf32, #tpu.memory_space<hbm>> -> memref<10000x128xf32, #tpu.memory_space<hbm>>
        %dma_start3A_168 = arith.constant 0 : i32
        %dma_start3A_169 = arith.constant 0 : i32
        %dma_start3A_170 = tpu.memref_slice %dma_start3A_167[%dma_start3A_168, %dma_start3A_169] : memref<10000x128xf32, #tpu.memory_space<hbm>> -> memref<10000x128xf32, #tpu.memory_space<hbm>>
        tpu.enqueue_indirect_dma source(%dma_start3A_170 : memref<10000x128xf32, #tpu.memory_space<hbm>>) target(%dma_start3A_160 : memref<50x128xf32, #tpu.memory_space<vmem>>) offsets(%dma_start3A_163 : memref<50xi32, #tpu.memory_space<vmem>>) semaphore(%arg10 : memref<!tpu.dma_semaphore, #tpu.memory_space<semaphore_mem>>)
      } else {
      }
    }
    %scan3A_54 = arith.constant 200 : i32
    %barrier3A_55 = arith.constant 0 : index
    tpu.barrier barrier_id(%barrier3A_55)
    %mul3A_56 = arith.constant 625 : i32
    %mul3A_57 = arith.muli %arg1, %mul3A_56 : i32
    %mul3A_58 = arith.constant 625 : i32
    %mul3A_59 = arith.muli %arg1, %mul3A_58 : i32
    "tpu.region"() ({
      %run_scoped3A = tpu.sem_alloc : memref<!tpu.dma_semaphore, #tpu.memory_space<semaphore_mem>>
      %dma_start3A_127 = arith.constant 0 : i32
      %dma_start3A_128 = tpu.memref_slice %arg5[%add3A_0, %mul3A_59, %dma_start3A_127] : memref<4x10000x128xf32, #tpu.memory_space<hbm>> -> memref<1x625x128xf32, #tpu.memory_space<hbm>>
      %dma_start3A_129 = tpu.memref_squeeze %dma_start3A_128 : memref<1x625x128xf32, #tpu.memory_space<hbm>> -> memref<625x128xf32, #tpu.memory_space<hbm>>
      %dma_start3A_130 = arith.constant 0 : i32
      %dma_start3A_131 = tpu.memref_slice %arg9[%mul3A_57, %dma_start3A_130] : memref<10000x128xf32, #tpu.memory_space<vmem_shared>> -> memref<625x128xf32, #tpu.memory_space<vmem_shared>>
      tpu.enqueue_dma source(%dma_start3A_131 : memref<625x128xf32, #tpu.memory_space<vmem_shared>>) target(%dma_start3A_129 : memref<625x128xf32, #tpu.memory_space<hbm>>) target_semaphore(%run_scoped3A : memref<!tpu.dma_semaphore, #tpu.memory_space<semaphore_mem>>)
      %dma_wait3A = arith.constant 0 : i32
      %dma_wait3A_132 = tpu.memref_slice %arg5[%add3A_0, %mul3A_59, %dma_wait3A] : memref<4x10000x128xf32, #tpu.memory_space<hbm>> -> memref<1x625x128xf32, #tpu.memory_space<hbm>>
      %dma_wait3A_133 = tpu.memref_squeeze %dma_wait3A_132 : memref<1x625x128xf32, #tpu.memory_space<hbm>> -> memref<625x128xf32, #tpu.memory_space<hbm>>
      %dma_wait3A_134 = arith.constant 0 : i32
      %dma_wait3A_135 = tpu.memref_slice %arg9[%mul3A_57, %dma_wait3A_134] : memref<10000x128xf32, #tpu.memory_space<vmem_shared>> -> memref<625x128xf32, #tpu.memory_space<vmem_shared>>
      tpu.wait_dma2 semaphore(%run_scoped3A : memref<!tpu.dma_semaphore, #tpu.memory_space<semaphore_mem>>) src(%dma_wait3A_135 : memref<625x128xf32, #tpu.memory_space<vmem_shared>>) dst(%dma_wait3A_133 : memref<625x128xf32, #tpu.memory_space<hbm>>)
      tpu.yield
    }) : () -> ()
    %barrier3A_60 = arith.constant 0 : index
    tpu.barrier barrier_id(%barrier3A_60)
    %add3A_61 = arith.constant 2 : i32
    %add3A_62 = arith.addi %arg0, %add3A_61 : i32
    %mul3A_63 = arith.constant 625 : i32
    %mul3A_64 = arith.muli %arg1, %mul3A_63 : i32
    %mul3A_65 = arith.constant 625 : i32
    %mul3A_66 = arith.muli %arg1, %mul3A_65 : i32
    "tpu.region"() ({
      %run_scoped3A = tpu.sem_alloc : memref<!tpu.dma_semaphore, #tpu.memory_space<semaphore_mem>>
      %dma_start3A_127 = arith.constant 0 : i32
      %dma_start3A_128 = tpu.memref_slice %arg9[%mul3A_66, %dma_start3A_127] : memref<10000x128xf32, #tpu.memory_space<vmem_shared>> -> memref<625x128xf32, #tpu.memory_space<vmem_shared>>
      %dma_start3A_129 = arith.constant 0 : i32
      %dma_start3A_130 = tpu.memref_slice %arg2[%add3A_62, %mul3A_64, %dma_start3A_129] : memref<4x10000x128xf32, #tpu.memory_space<hbm>> -> memref<1x625x128xf32, #tpu.memory_space<hbm>>
      %dma_start3A_131 = tpu.memref_squeeze %dma_start3A_130 : memref<1x625x128xf32, #tpu.memory_space<hbm>> -> memref<625x128xf32, #tpu.memory_space<hbm>>
      tpu.enqueue_dma source(%dma_start3A_131 : memref<625x128xf32, #tpu.memory_space<hbm>>) target(%dma_start3A_128 : memref<625x128xf32, #tpu.memory_space<vmem_shared>>) target_semaphore(%run_scoped3A : memref<!tpu.dma_semaphore, #tpu.memory_space<semaphore_mem>>)
      %dma_wait3A = arith.constant 0 : i32
      %dma_wait3A_132 = tpu.memref_slice %arg9[%mul3A_66, %dma_wait3A] : memref<10000x128xf32, #tpu.memory_space<vmem_shared>> -> memref<625x128xf32, #tpu.memory_space<vmem_shared>>
      %dma_wait3A_133 = arith.constant 0 : i32
      %dma_wait3A_134 = tpu.memref_slice %arg2[%add3A_62, %mul3A_64, %dma_wait3A_133] : memref<4x10000x128xf32, #tpu.memory_space<hbm>> -> memref<1x625x128xf32, #tpu.memory_space<hbm>>
      %dma_wait3A_135 = tpu.memref_squeeze %dma_wait3A_134 : memref<1x625x128xf32, #tpu.memory_space<hbm>> -> memref<625x128xf32, #tpu.memory_space<hbm>>
      tpu.wait_dma2 semaphore(%run_scoped3A : memref<!tpu.dma_semaphore, #tpu.memory_space<semaphore_mem>>) src(%dma_wait3A_135 : memref<625x128xf32, #tpu.memory_space<hbm>>) dst(%dma_wait3A_132 : memref<625x128xf32, #tpu.memory_space<vmem_shared>>)
      tpu.yield
    }) : () -> ()
    %barrier3A_67 = arith.constant 0 : index
    tpu.barrier barrier_id(%barrier3A_67)
    %dma_start3A_68 = arith.constant 0 : i32
    %dma_start3A_69 = arith.constant 0 : i32
    %dma_start3A_70 = arith.constant 0 : i32
    %dma_start3A_71 = arith.constant 0 : i32
    %dma_start3A_72 = tpu.memref_slice %arg8[%dma_start3A_69, %dma_start3A_70, %dma_start3A_71] : memref<4x50x128xf32, #tpu.memory_space<vmem>> -> memref<1x50x128xf32, #tpu.memory_space<vmem>>
    %dma_start3A_73 = tpu.memref_squeeze %dma_start3A_72 : memref<1x50x128xf32, #tpu.memory_space<vmem>> -> memref<50x128xf32, #tpu.memory_space<vmem>>
    %dma_start3A_74 = arith.constant 0 : i32
    %dma_start3A_75 = tpu.memref_slice %arg6[%dma_start3A_68, %dma_start3A_74] : memref<200x50xi32, #tpu.memory_space<vmem>> -> memref<1x50xi32, #tpu.memory_space<vmem>>
    %dma_start3A_76 = tpu.memref_squeeze %dma_start3A_75 : memref<1x50xi32, #tpu.memory_space<vmem>> -> memref<50xi32, #tpu.memory_space<vmem>>
    %dma_start3A_77 = arith.constant 0 : i32
    %dma_start3A_78 = arith.constant 0 : i32
    %dma_start3A_79 = tpu.memref_slice %arg2[%add3A_62, %dma_start3A_77, %dma_start3A_78] : memref<4x10000x128xf32, #tpu.memory_space<hbm>> -> memref<1x10000x128xf32, #tpu.memory_space<hbm>>
    %dma_start3A_80 = tpu.memref_squeeze %dma_start3A_79 : memref<1x10000x128xf32, #tpu.memory_space<hbm>> -> memref<10000x128xf32, #tpu.memory_space<hbm>>
    %dma_start3A_81 = arith.constant 0 : i32
    %dma_start3A_82 = arith.constant 0 : i32
    %dma_start3A_83 = tpu.memref_slice %dma_start3A_80[%dma_start3A_81, %dma_start3A_82] : memref<10000x128xf32, #tpu.memory_space<hbm>> -> memref<10000x128xf32, #tpu.memory_space<hbm>>
    tpu.enqueue_indirect_dma source(%dma_start3A_83 : memref<10000x128xf32, #tpu.memory_space<hbm>>) target(%dma_start3A_73 : memref<50x128xf32, #tpu.memory_space<vmem>>) offsets(%dma_start3A_76 : memref<50xi32, #tpu.memory_space<vmem>>) semaphore(%arg10 : memref<!tpu.dma_semaphore, #tpu.memory_space<semaphore_mem>>)
    %dma_start3A_84 = arith.constant 1 : i32
    %dma_start3A_85 = arith.constant 1 : i32
    %dma_start3A_86 = arith.constant 0 : i32
    %dma_start3A_87 = arith.constant 0 : i32
    %dma_start3A_88 = tpu.memref_slice %arg8[%dma_start3A_85, %dma_start3A_86, %dma_start3A_87] : memref<4x50x128xf32, #tpu.memory_space<vmem>> -> memref<1x50x128xf32, #tpu.memory_space<vmem>>
    %dma_start3A_89 = tpu.memref_squeeze %dma_start3A_88 : memref<1x50x128xf32, #tpu.memory_space<vmem>> -> memref<50x128xf32, #tpu.memory_space<vmem>>
    %dma_start3A_90 = arith.constant 0 : i32
    %dma_start3A_91 = tpu.memref_slice %arg6[%dma_start3A_84, %dma_start3A_90] : memref<200x50xi32, #tpu.memory_space<vmem>> -> memref<1x50xi32, #tpu.memory_space<vmem>>
    %dma_start3A_92 = tpu.memref_squeeze %dma_start3A_91 : memref<1x50xi32, #tpu.memory_space<vmem>> -> memref<50xi32, #tpu.memory_space<vmem>>
    %dma_start3A_93 = arith.constant 0 : i32
    %dma_start3A_94 = arith.constant 0 : i32
    %dma_start3A_95 = tpu.memref_slice %arg2[%add3A_62, %dma_start3A_93, %dma_start3A_94] : memref<4x10000x128xf32, #tpu.memory_space<hbm>> -> memref<1x10000x128xf32, #tpu.memory_space<hbm>>
    %dma_start3A_96 = tpu.memref_squeeze %dma_start3A_95 : memref<1x10000x128xf32, #tpu.memory_space<hbm>> -> memref<10000x128xf32, #tpu.memory_space<hbm>>
    %dma_start3A_97 = arith.constant 0 : i32
    %dma_start3A_98 = arith.constant 0 : i32
    %dma_start3A_99 = tpu.memref_slice %dma_start3A_96[%dma_start3A_97, %dma_start3A_98] : memref<10000x128xf32, #tpu.memory_space<hbm>> -> memref<10000x128xf32, #tpu.memory_space<hbm>>
    tpu.enqueue_indirect_dma source(%dma_start3A_99 : memref<10000x128xf32, #tpu.memory_space<hbm>>) target(%dma_start3A_89 : memref<50x128xf32, #tpu.memory_space<vmem>>) offsets(%dma_start3A_92 : memref<50xi32, #tpu.memory_space<vmem>>) semaphore(%arg10 : memref<!tpu.dma_semaphore, #tpu.memory_space<semaphore_mem>>)
    %dma_start3A_100 = arith.constant 2 : i32
    %dma_start3A_101 = arith.constant 2 : i32
    %dma_start3A_102 = arith.constant 0 : i32
    %dma_start3A_103 = arith.constant 0 : i32
    %dma_start3A_104 = tpu.memref_slice %arg8[%dma_start3A_101, %dma_start3A_102, %dma_start3A_103] : memref<4x50x128xf32, #tpu.memory_space<vmem>> -> memref<1x50x128xf32, #tpu.memory_space<vmem>>
    %dma_start3A_105 = tpu.memref_squeeze %dma_start3A_104 : memref<1x50x128xf32, #tpu.memory_space<vmem>> -> memref<50x128xf32, #tpu.memory_space<vmem>>
    %dma_start3A_106 = arith.constant 0 : i32
    %dma_start3A_107 = tpu.memref_slice %arg6[%dma_start3A_100, %dma_start3A_106] : memref<200x50xi32, #tpu.memory_space<vmem>> -> memref<1x50xi32, #tpu.memory_space<vmem>>
    %dma_start3A_108 = tpu.memref_squeeze %dma_start3A_107 : memref<1x50xi32, #tpu.memory_space<vmem>> -> memref<50xi32, #tpu.memory_space<vmem>>
    %dma_start3A_109 = arith.constant 0 : i32
    %dma_start3A_110 = arith.constant 0 : i32
    %dma_start3A_111 = tpu.memref_slice %arg2[%add3A_62, %dma_start3A_109, %dma_start3A_110] : memref<4x10000x128xf32, #tpu.memory_space<hbm>> -> memref<1x10000x128xf32, #tpu.memory_space<hbm>>
    %dma_start3A_112 = tpu.memref_squeeze %dma_start3A_111 : memref<1x10000x128xf32, #tpu.memory_space<hbm>> -> memref<10000x128xf32, #tpu.memory_space<hbm>>
    %dma_start3A_113 = arith.constant 0 : i32
    %dma_start3A_114 = arith.constant 0 : i32
    %dma_start3A_115 = tpu.memref_slice %dma_start3A_112[%dma_start3A_113, %dma_start3A_114] : memref<10000x128xf32, #tpu.memory_space<hbm>> -> memref<10000x128xf32, #tpu.memory_space<hbm>>
    tpu.enqueue_indirect_dma source(%dma_start3A_115 : memref<10000x128xf32, #tpu.memory_space<hbm>>) target(%dma_start3A_105 : memref<50x128xf32, #tpu.memory_space<vmem>>) offsets(%dma_start3A_108 : memref<50xi32, #tpu.memory_space<vmem>>) semaphore(%arg10 : memref<!tpu.dma_semaphore, #tpu.memory_space<semaphore_mem>>)
    %scan3A_116 = arith.constant 0 : i32
    %scan3A_117 = arith.constant 200 : i32
    %scan3A_118 = arith.addi %scan3A_116, %scan3A_117 : i32
    %scan3A_119 = arith.constant 1 : i32
    scf.for %scan3A_127 = %scan3A_116 to %scan3A_118 step %scan3A_119  : i32 {
      %rem3A = arith.constant 4 : i32
      %rem3A_128 = arith.remsi %scan3A_127, %rem3A : i32
      %dma_wait3A = arith.constant 0 : i32
      %dma_wait3A_129 = arith.constant 0 : i32
      %dma_wait3A_130 = tpu.memref_slice %arg8[%rem3A_128, %dma_wait3A, %dma_wait3A_129] : memref<4x50x128xf32, #tpu.memory_space<vmem>> -> memref<1x50x128xf32, #tpu.memory_space<vmem>>
      %dma_wait3A_131 = tpu.memref_squeeze %dma_wait3A_130 : memref<1x50x128xf32, #tpu.memory_space<vmem>> -> memref<50x128xf32, #tpu.memory_space<vmem>>
      %dma_wait3A_132 = arith.constant 0 : i32
      %dma_wait3A_133 = tpu.memref_slice %arg6[%scan3A_127, %dma_wait3A_132] : memref<200x50xi32, #tpu.memory_space<vmem>> -> memref<1x50xi32, #tpu.memory_space<vmem>>
      %dma_wait3A_134 = tpu.memref_squeeze %dma_wait3A_133 : memref<1x50xi32, #tpu.memory_space<vmem>> -> memref<50xi32, #tpu.memory_space<vmem>>
      %dma_wait3A_135 = arith.constant 0 : i32
      %dma_wait3A_136 = arith.constant 0 : i32
      %dma_wait3A_137 = tpu.memref_slice %arg2[%add3A_62, %dma_wait3A_135, %dma_wait3A_136] : memref<4x10000x128xf32, #tpu.memory_space<hbm>> -> memref<1x10000x128xf32, #tpu.memory_space<hbm>>
      %dma_wait3A_138 = tpu.memref_squeeze %dma_wait3A_137 : memref<1x10000x128xf32, #tpu.memory_space<hbm>> -> memref<10000x128xf32, #tpu.memory_space<hbm>>
      %dma_wait3A_139 = arith.constant 0 : i32
      %dma_wait3A_140 = arith.constant 0 : i32
      %dma_wait3A_141 = tpu.memref_slice %dma_wait3A_138[%dma_wait3A_139, %dma_wait3A_140] : memref<10000x128xf32, #tpu.memory_space<hbm>> -> memref<10000x128xf32, #tpu.memory_space<hbm>>
      tpu.wait_indirect_dma semaphore(%arg10 : memref<!tpu.dma_semaphore, #tpu.memory_space<semaphore_mem>>) src(%dma_wait3A_141 : memref<10000x128xf32, #tpu.memory_space<hbm>>) dst(%dma_wait3A_131 : memref<50x128xf32, #tpu.memory_space<vmem>>)
      %add3A_142 = arith.constant 4 : i32
      %add3A_143 = arith.addi %scan3A_127, %add3A_142 : i32
      %sub3A = arith.constant 1 : i32
      %sub3A_144 = arith.subi %add3A_143, %sub3A : i32
      %lt3A = arith.constant 200 : i32
      %lt3A_145 = arith.cmpi slt, %sub3A_144, %lt3A : i32
      %convert_element_type3A = arith.extui %lt3A_145 : i1 to i32
      %cond3A = arith.constant 0 : i32
      %cond3A_146 = arith.cmpi ne, %convert_element_type3A, %cond3A : i32
      scf.if %cond3A_146 {
        %add3A_147 = arith.constant 4 : i32
        %add3A_148 = arith.addi %scan3A_127, %add3A_147 : i32
        %sub3A_149 = arith.constant 1 : i32
        %sub3A_150 = arith.subi %add3A_148, %sub3A_149 : i32
        %add3A_151 = arith.constant 4 : i32
        %add3A_152 = arith.addi %scan3A_127, %add3A_151 : i32
        %sub3A_153 = arith.constant 1 : i32
        %sub3A_154 = arith.subi %add3A_152, %sub3A_153 : i32
        %rem3A_155 = arith.constant 4 : i32
        %rem3A_156 = arith.remsi %sub3A_154, %rem3A_155 : i32
        %dma_start3A_157 = arith.constant 0 : i32
        %dma_start3A_158 = arith.constant 0 : i32
        %dma_start3A_159 = tpu.memref_slice %arg8[%rem3A_156, %dma_start3A_157, %dma_start3A_158] : memref<4x50x128xf32, #tpu.memory_space<vmem>> -> memref<1x50x128xf32, #tpu.memory_space<vmem>>
        %dma_start3A_160 = tpu.memref_squeeze %dma_start3A_159 : memref<1x50x128xf32, #tpu.memory_space<vmem>> -> memref<50x128xf32, #tpu.memory_space<vmem>>
        %dma_start3A_161 = arith.constant 0 : i32
        %dma_start3A_162 = tpu.memref_slice %arg6[%sub3A_150, %dma_start3A_161] : memref<200x50xi32, #tpu.memory_space<vmem>> -> memref<1x50xi32, #tpu.memory_space<vmem>>
        %dma_start3A_163 = tpu.memref_squeeze %dma_start3A_162 : memref<1x50xi32, #tpu.memory_space<vmem>> -> memref<50xi32, #tpu.memory_space<vmem>>
        %dma_start3A_164 = arith.constant 0 : i32
        %dma_start3A_165 = arith.constant 0 : i32
        %dma_start3A_166 = tpu.memref_slice %arg2[%add3A_62, %dma_start3A_164, %dma_start3A_165] : memref<4x10000x128xf32, #tpu.memory_space<hbm>> -> memref<1x10000x128xf32, #tpu.memory_space<hbm>>
        %dma_start3A_167 = tpu.memref_squeeze %dma_start3A_166 : memref<1x10000x128xf32, #tpu.memory_space<hbm>> -> memref<10000x128xf32, #tpu.memory_space<hbm>>
        %dma_start3A_168 = arith.constant 0 : i32
        %dma_start3A_169 = arith.constant 0 : i32
        %dma_start3A_170 = tpu.memref_slice %dma_start3A_167[%dma_start3A_168, %dma_start3A_169] : memref<10000x128xf32, #tpu.memory_space<hbm>> -> memref<10000x128xf32, #tpu.memory_space<hbm>>
        tpu.enqueue_indirect_dma source(%dma_start3A_170 : memref<10000x128xf32, #tpu.memory_space<hbm>>) target(%dma_start3A_160 : memref<50x128xf32, #tpu.memory_space<vmem>>) offsets(%dma_start3A_163 : memref<50xi32, #tpu.memory_space<vmem>>) semaphore(%arg10 : memref<!tpu.dma_semaphore, #tpu.memory_space<semaphore_mem>>)
      } else {
      }
    }
    %scan3A_120 = arith.constant 200 : i32
    %barrier3A_121 = arith.constant 0 : index
    tpu.barrier barrier_id(%barrier3A_121)
    %mul3A_122 = arith.constant 625 : i32
    %mul3A_123 = arith.muli %arg1, %mul3A_122 : i32
    %mul3A_124 = arith.constant 625 : i32
    %mul3A_125 = arith.muli %arg1, %mul3A_124 : i32
    "tpu.region"() ({
      %run_scoped3A = tpu.sem_alloc : memref<!tpu.dma_semaphore, #tpu.memory_space<semaphore_mem>>
      %dma_start3A_127 = arith.constant 0 : i32
      %dma_start3A_128 = tpu.memref_slice %arg5[%add3A_62, %mul3A_125, %dma_start3A_127] : memref<4x10000x128xf32, #tpu.memory_space<hbm>> -> memref<1x625x128xf32, #tpu.memory_space<hbm>>
      %dma_start3A_129 = tpu.memref_squeeze %dma_start3A_128 : memref<1x625x128xf32, #tpu.memory_space<hbm>> -> memref<625x128xf32, #tpu.memory_space<hbm>>
      %dma_start3A_130 = arith.constant 0 : i32
      %dma_start3A_131 = tpu.memref_slice %arg9[%mul3A_123, %dma_start3A_130] : memref<10000x128xf32, #tpu.memory_space<vmem_shared>> -> memref<625x128xf32, #tpu.memory_space<vmem_shared>>
      tpu.enqueue_dma source(%dma_start3A_131 : memref<625x128xf32, #tpu.memory_space<vmem_shared>>) target(%dma_start3A_129 : memref<625x128xf32, #tpu.memory_space<hbm>>) target_semaphore(%run_scoped3A : memref<!tpu.dma_semaphore, #tpu.memory_space<semaphore_mem>>)
      %dma_wait3A = arith.constant 0 : i32
      %dma_wait3A_132 = tpu.memref_slice %arg5[%add3A_62, %mul3A_125, %dma_wait3A] : memref<4x10000x128xf32, #tpu.memory_space<hbm>> -> memref<1x625x128xf32, #tpu.memory_space<hbm>>
      %dma_wait3A_133 = tpu.memref_squeeze %dma_wait3A_132 : memref<1x625x128xf32, #tpu.memory_space<hbm>> -> memref<625x128xf32, #tpu.memory_space<hbm>>
      %dma_wait3A_134 = arith.constant 0 : i32
      %dma_wait3A_135 = tpu.memref_slice %arg9[%mul3A_123, %dma_wait3A_134] : memref<10000x128xf32, #tpu.memory_space<vmem_shared>> -> memref<625x128xf32, #tpu.memory_space<vmem_shared>>
      tpu.wait_dma2 semaphore(%run_scoped3A : memref<!tpu.dma_semaphore, #tpu.memory_space<semaphore_mem>>) src(%dma_wait3A_135 : memref<625x128xf32, #tpu.memory_space<vmem_shared>>) dst(%dma_wait3A_133 : memref<625x128xf32, #tpu.memory_space<hbm>>)
      tpu.yield
    }) : () -> ()
    %barrier3A_126 = arith.constant 0 : index
    tpu.barrier barrier_id(%barrier3A_126)
    return
  }
}

module attributes {stable_mosaic.version = 14 : i64} {
  func.func @_dense_body(%arg0: i32, %arg1: memref<256x256xf32, #tpu.memory_space<vmem>>, %arg2: memref<2x256xi32, #tpu.memory_space<vmem>>, %arg3: memref<256x256xf32, #tpu.memory_space<vmem>>, %arg4: memref<1x256xf32, #tpu.memory_space<vmem>>, %arg5: memref<256x256xf32, #tpu.memory_space<vmem>>, %arg6: memref<1x256xf32, #tpu.memory_space<vmem>>, %arg7: memref<256x256xf32, #tpu.memory_space<vmem>>, %arg8: memref<1x256xf32, #tpu.memory_space<vmem>>, %arg9: memref<256x256xf32, #tpu.memory_space<vmem>>, %arg10: memref<1x256xf32, #tpu.memory_space<vmem>>, %arg11: memref<4x256x128xf32, #tpu.memory_space<vmem>>) attributes {dimension_semantics = [#tpu.dimension_semantics<arbitrary>], iteration_bounds = array<i64: 40>, scalar_prefetch = 0 : i64, scratch_operands = 0 : i64, tpu.core_type = #tpu.core_type<tc>, window_params = [{transform_indices = @transform_0, window_bounds = array<i64: 256, 256>}, {transform_indices = @transform_1, window_bounds = array<i64: 2, 256>}, {pipeline_mode = #tpu.pipeline_mode<synchronous>, transform_indices = @transform_2, window_bounds = array<i64: 256, 256>}, {pipeline_mode = #tpu.pipeline_mode<synchronous>, transform_indices = @transform_3, window_bounds = array<i64: 1, 256>}, {pipeline_mode = #tpu.pipeline_mode<synchronous>, transform_indices = @transform_4, window_bounds = array<i64: 256, 256>}, {pipeline_mode = #tpu.pipeline_mode<synchronous>, transform_indices = @transform_5, window_bounds = array<i64: 1, 256>}, {pipeline_mode = #tpu.pipeline_mode<synchronous>, transform_indices = @transform_6, window_bounds = array<i64: 256, 256>}, {pipeline_mode = #tpu.pipeline_mode<synchronous>, transform_indices = @transform_7, window_bounds = array<i64: 1, 256>}, {pipeline_mode = #tpu.pipeline_mode<synchronous>, transform_indices = @transform_8, window_bounds = array<i64: 256, 256>}, {pipeline_mode = #tpu.pipeline_mode<synchronous>, transform_indices = @transform_9, window_bounds = array<i64: 1, 256>}, {transform_indices = @transform_10, window_bounds = array<i64: 4, 256, 128>}]} {
    %get3A = arith.constant 0 : index
    %get3A_0 = arith.constant 0 : index
    %get3A_1 = vector.load %arg1[%get3A, %get3A_0] : memref<256x256xf32, #tpu.memory_space<vmem>>, vector<256x256xf32>
    %get3A_2 = arith.constant 0 : index
    %get3A_3 = arith.constant 0 : index
    %get3A_4 = vector.load %arg3[%get3A_2, %get3A_3] : memref<256x256xf32, #tpu.memory_space<vmem>>, vector<256x256xf32>
    %dot_general3A = arith.constant dense<0.000000e+00> : vector<256x256xf32>
    %dot_general3A_5 = tpu.matmul %get3A_1, %get3A_4, %dot_general3A {dimension_numbers = #tpu.dot_dimension_numbers<[1], [0], [0], [1], [0, 0, 1, 1], [], []>, transpose_lhs_hint = false} : vector<256x256xf32>, vector<256x256xf32>, vector<256x256xf32> -> vector<256x256xf32>
    %get3A_6 = arith.constant 0 : index
    %get3A_7 = arith.constant 0 : index
    %get3A_8 = vector.load %arg4[%get3A_6, %get3A_7] : memref<1x256xf32, #tpu.memory_space<vmem>>, vector<1x256xf32>
    %add3A = vector.broadcast %get3A_8 : vector<1x256xf32> to vector<256x256xf32>
    %add3A_9 = arith.addf %dot_general3A_5, %add3A : vector<256x256xf32>
    %gt3A = arith.constant 0.000000e+00 : f32
    %gt3A_10 = vector.broadcast %gt3A : f32 to vector<256x256xf32>
    %gt3A_11 = arith.cmpf ogt, %add3A_9, %gt3A_10 : vector<256x256xf32>
    %exp3A = math.exp %add3A_9 : vector<256x256xf32>
    %sub3A = arith.constant 1.000000e+00 : f32
    %sub3A_12 = vector.broadcast %sub3A : f32 to vector<256x256xf32>
    %sub3A_13 = arith.subf %exp3A, %sub3A_12 : vector<256x256xf32>
    %select_n3A = arith.select %gt3A_11, %add3A_9, %sub3A_13 : vector<256x256xi1>, vector<256x256xf32>
    %get3A_14 = arith.constant 0 : index
    %get3A_15 = arith.constant 0 : index
    %get3A_16 = vector.load %arg7[%get3A_14, %get3A_15] : memref<256x256xf32, #tpu.memory_space<vmem>>, vector<256x256xf32>
    %dot_general3A_17 = arith.constant dense<0.000000e+00> : vector<256x256xf32>
    %dot_general3A_18 = tpu.matmul %select_n3A, %get3A_16, %dot_general3A_17 {dimension_numbers = #tpu.dot_dimension_numbers<[1], [0], [0], [1], [0, 0, 1, 1], [], []>, transpose_lhs_hint = false} : vector<256x256xf32>, vector<256x256xf32>, vector<256x256xf32> -> vector<256x256xf32>
    %get3A_19 = arith.constant 0 : index
    %get3A_20 = arith.constant 0 : index
    %get3A_21 = vector.load %arg8[%get3A_19, %get3A_20] : memref<1x256xf32, #tpu.memory_space<vmem>>, vector<1x256xf32>
    %add3A_22 = vector.broadcast %get3A_21 : vector<1x256xf32> to vector<256x256xf32>
    %add3A_23 = arith.addf %dot_general3A_18, %add3A_22 : vector<256x256xf32>
    %gt3A_24 = arith.constant 0.000000e+00 : f32
    %gt3A_25 = vector.broadcast %gt3A_24 : f32 to vector<256x256xf32>
    %gt3A_26 = arith.cmpf ogt, %add3A_23, %gt3A_25 : vector<256x256xf32>
    %exp3A_27 = math.exp %add3A_23 : vector<256x256xf32>
    %sub3A_28 = arith.constant 1.000000e+00 : f32
    %sub3A_29 = vector.broadcast %sub3A_28 : f32 to vector<256x256xf32>
    %sub3A_30 = arith.subf %exp3A_27, %sub3A_29 : vector<256x256xf32>
    %select_n3A_31 = arith.select %gt3A_26, %add3A_23, %sub3A_30 : vector<256x256xi1>, vector<256x256xf32>
    %get3A_32 = arith.constant 0 : index
    %get3A_33 = arith.constant 0 : index
    %get3A_34 = vector.load %arg5[%get3A_32, %get3A_33] : memref<256x256xf32, #tpu.memory_space<vmem>>, vector<256x256xf32>
    %dot_general3A_35 = arith.constant dense<0.000000e+00> : vector<256x256xf32>
    %dot_general3A_36 = tpu.matmul %get3A_1, %get3A_34, %dot_general3A_35 {dimension_numbers = #tpu.dot_dimension_numbers<[1], [0], [0], [1], [0, 0, 1, 1], [], []>, transpose_lhs_hint = false} : vector<256x256xf32>, vector<256x256xf32>, vector<256x256xf32> -> vector<256x256xf32>
    %get3A_37 = arith.constant 0 : index
    %get3A_38 = arith.constant 0 : index
    %get3A_39 = vector.load %arg6[%get3A_37, %get3A_38] : memref<1x256xf32, #tpu.memory_space<vmem>>, vector<1x256xf32>
    %add3A_40 = vector.broadcast %get3A_39 : vector<1x256xf32> to vector<256x256xf32>
    %add3A_41 = arith.addf %dot_general3A_36, %add3A_40 : vector<256x256xf32>
    %max3A = arith.constant 0.000000e+00 : f32
    %max3A_42 = vector.broadcast %max3A : f32 to vector<256x256xf32>
    %max3A_43 = arith.maximumf %add3A_41, %max3A_42 : vector<256x256xf32>
    %get3A_44 = arith.constant 0 : index
    %get3A_45 = arith.constant 0 : index
    %get3A_46 = vector.load %arg9[%get3A_44, %get3A_45] : memref<256x256xf32, #tpu.memory_space<vmem>>, vector<256x256xf32>
    %dot_general3A_47 = arith.constant dense<0.000000e+00> : vector<256x256xf32>
    %dot_general3A_48 = tpu.matmul %max3A_43, %get3A_46, %dot_general3A_47 {dimension_numbers = #tpu.dot_dimension_numbers<[1], [0], [0], [1], [0, 0, 1, 1], [], []>, transpose_lhs_hint = false} : vector<256x256xf32>, vector<256x256xf32>, vector<256x256xf32> -> vector<256x256xf32>
    %get3A_49 = arith.constant 0 : index
    %get3A_50 = arith.constant 0 : index
    %get3A_51 = vector.load %arg10[%get3A_49, %get3A_50] : memref<1x256xf32, #tpu.memory_space<vmem>>, vector<1x256xf32>
    %add3A_52 = vector.broadcast %get3A_51 : vector<1x256xf32> to vector<256x256xf32>
    %add3A_53 = arith.addf %dot_general3A_48, %add3A_52 : vector<256x256xf32>
    %max3A_54 = arith.constant 0.000000e+00 : f32
    %max3A_55 = vector.broadcast %max3A_54 : f32 to vector<256x256xf32>
    %max3A_56 = arith.maximumf %add3A_53, %max3A_55 : vector<256x256xf32>
    %add3A_57 = arith.constant 9.99999997E-7 : f32
    %add3A_58 = vector.broadcast %add3A_57 : f32 to vector<256x256xf32>
    %add3A_59 = arith.addf %max3A_56, %add3A_58 : vector<256x256xf32>
    %neg3A = arith.constant 0.000000e+00 : f32
    %neg3A_60 = vector.broadcast %neg3A : f32 to vector<256x256xf32>
    %neg3A_61 = arith.subf %neg3A_60, %add3A_59 : vector<256x256xf32>
    %exp3A_62 = math.exp %neg3A_61 : vector<256x256xf32>
    %mul3A = arith.mulf %select_n3A_31, %exp3A_62 : vector<256x256xf32>
    %mul3A_63 = arith.mulf %exp3A_62, %exp3A_62 : vector<256x256xf32>
    %mul3A_64 = arith.mulf %add3A_59, %mul3A_63 : vector<256x256xf32>
    %get3A_65 = arith.constant 0 : index
    %get3A_66 = arith.constant 0 : index
    %get3A_67 = vector.load %arg2[%get3A_65, %get3A_66] : memref<2x256xi32, #tpu.memory_space<vmem>>, vector<2x256xi32>
    %slice3A = vector.extract_strided_slice %get3A_67 {offsets = [0, 0], sizes = [1, 256], strides = [1, 1]} : vector<2x256xi32> to vector<1x256xi32>
    %squeeze3A = vector.shape_cast %slice3A : vector<1x256xi32> to vector<256xi32>
    %slice3A_68 = vector.extract_strided_slice %get3A_67 {offsets = [1, 0], sizes = [1, 256], strides = [1, 1]} : vector<2x256xi32> to vector<1x256xi32>
    %squeeze3A_69 = vector.shape_cast %slice3A_68 : vector<1x256xi32> to vector<256xi32>
    %add3A_70 = arith.addi %squeeze3A, %squeeze3A_69 : vector<256xi32>
    %add3A_71 = arith.constant 1 : i32
    %add3A_72 = vector.broadcast %add3A_71 : i32 to vector<256xi32>
    %add3A_73 = arith.addi %add3A_70, %add3A_72 : vector<256xi32>
    %convert_element_type3A = arith.sitofp %add3A_73 : vector<256xi32> to vector<256xf32>
    %rsqrt3A = math.rsqrt %convert_element_type3A : vector<256xf32>
    %broadcast_in_dim3A = vector.shape_cast %rsqrt3A : vector<256xf32> to vector<256x1xf32>
    %div3A = arith.constant 1.000000e+00 : f32
    %div3A_74 = vector.broadcast %div3A : f32 to vector<256xf32>
    %div3A_75 = arith.divf %div3A_74, %convert_element_type3A : vector<256xf32>
    %broadcast_in_dim3A_76 = vector.shape_cast %div3A_75 : vector<256xf32> to vector<256x1xf32>
    %mul3A_77 = vector.broadcast %broadcast_in_dim3A : vector<256x1xf32> to vector<256x256xf32>
    %mul3A_78 = arith.mulf %mul3A_77, %mul3A : vector<256x256xf32>
    %mul3A_79 = vector.broadcast %broadcast_in_dim3A_76 : vector<256x1xf32> to vector<256x256xf32>
    %mul3A_80 = arith.mulf %mul3A_79, %mul3A_64 : vector<256x256xf32>
    %slice3A_81 = vector.extract_strided_slice %mul3A_78 {offsets = [0, 0], sizes = [256, 128], strides = [1, 1]} : vector<256x256xf32> to vector<256x128xf32>
    %swap3A = arith.constant 0 : index
    %swap3A_82 = arith.constant 0 : index
    %swap3A_83 = arith.constant 0 : index
    %swap3A_84 = vector.load %arg11[%swap3A, %swap3A_82, %swap3A_83] : memref<4x256x128xf32, #tpu.memory_space<vmem>>, vector<1x256x128xf32>
    %swap3A_85 = vector.shape_cast %swap3A_84 : vector<1x256x128xf32> to vector<256x128xf32>
    %swap3A_86 = vector.shape_cast %slice3A_81 : vector<256x128xf32> to vector<1x256x128xf32>
    tpu.vector_store %arg11[%swap3A, %swap3A_82, %swap3A_83], %swap3A_86 {strides = array<i32>} : memref<4x256x128xf32, #tpu.memory_space<vmem>>, vector<1x256x128xf32>,
    %slice3A_87 = vector.extract_strided_slice %mul3A_78 {offsets = [0, 128], sizes = [256, 128], strides = [1, 1]} : vector<256x256xf32> to vector<256x128xf32>
    %swap3A_88 = arith.constant 1 : index
    %swap3A_89 = arith.constant 0 : index
    %swap3A_90 = arith.constant 0 : index
    %swap3A_91 = vector.load %arg11[%swap3A_88, %swap3A_89, %swap3A_90] : memref<4x256x128xf32, #tpu.memory_space<vmem>>, vector<1x256x128xf32>
    %swap3A_92 = vector.shape_cast %swap3A_91 : vector<1x256x128xf32> to vector<256x128xf32>
    %swap3A_93 = vector.shape_cast %slice3A_87 : vector<256x128xf32> to vector<1x256x128xf32>
    tpu.vector_store %arg11[%swap3A_88, %swap3A_89, %swap3A_90], %swap3A_93 {strides = array<i32>} : memref<4x256x128xf32, #tpu.memory_space<vmem>>, vector<1x256x128xf32>,
    %slice3A_94 = vector.extract_strided_slice %mul3A_80 {offsets = [0, 0], sizes = [256, 128], strides = [1, 1]} : vector<256x256xf32> to vector<256x128xf32>
    %swap3A_95 = arith.constant 2 : index
    %swap3A_96 = arith.constant 0 : index
    %swap3A_97 = arith.constant 0 : index
    %swap3A_98 = vector.load %arg11[%swap3A_95, %swap3A_96, %swap3A_97] : memref<4x256x128xf32, #tpu.memory_space<vmem>>, vector<1x256x128xf32>
    %swap3A_99 = vector.shape_cast %swap3A_98 : vector<1x256x128xf32> to vector<256x128xf32>
    %swap3A_100 = vector.shape_cast %slice3A_94 : vector<256x128xf32> to vector<1x256x128xf32>
    tpu.vector_store %arg11[%swap3A_95, %swap3A_96, %swap3A_97], %swap3A_100 {strides = array<i32>} : memref<4x256x128xf32, #tpu.memory_space<vmem>>, vector<1x256x128xf32>,
    %slice3A_101 = vector.extract_strided_slice %mul3A_80 {offsets = [0, 128], sizes = [256, 128], strides = [1, 1]} : vector<256x256xf32> to vector<256x128xf32>
    %swap3A_102 = arith.constant 3 : index
    %swap3A_103 = arith.constant 0 : index
    %swap3A_104 = arith.constant 0 : index
    %swap3A_105 = vector.load %arg11[%swap3A_102, %swap3A_103, %swap3A_104] : memref<4x256x128xf32, #tpu.memory_space<vmem>>, vector<1x256x128xf32>
    %swap3A_106 = vector.shape_cast %swap3A_105 : vector<1x256x128xf32> to vector<256x128xf32>
    %swap3A_107 = vector.shape_cast %slice3A_101 : vector<256x128xf32> to vector<1x256x128xf32>
    tpu.vector_store %arg11[%swap3A_102, %swap3A_103, %swap3A_104], %swap3A_107 {strides = array<i32>} : memref<4x256x128xf32, #tpu.memory_space<vmem>>, vector<1x256x128xf32>,
    return
  }
  func.func @transform_0(%arg0: i32) -> (i32, i32) {
    %c0_i32 = arith.constant 0 : i32
    %c0_i32_0 = arith.constant 0 : i32
    return %arg0, %c0_i32 : i32, i32
  }
  func.func @transform_1(%arg0: i32) -> (i32, i32) {
    %c0_i32 = arith.constant 0 : i32
    %c0_i32_0 = arith.constant 0 : i32
    return %c0_i32, %arg0 : i32, i32
  }
  func.func @transform_2(%arg0: i32) -> (i32, i32) {
    %c0_i32 = arith.constant 0 : i32
    %c0_i32_0 = arith.constant 0 : i32
    %c0_i32_1 = arith.constant 0 : i32
    return %c0_i32, %c0_i32_0 : i32, i32
  }
  func.func @transform_3(%arg0: i32) -> (i32, i32) {
    %c0_i32 = arith.constant 0 : i32
    %c0_i32_0 = arith.constant 0 : i32
    %c0_i32_1 = arith.constant 0 : i32
    return %c0_i32, %c0_i32_0 : i32, i32
  }
  func.func @transform_4(%arg0: i32) -> (i32, i32) {
    %c0_i32 = arith.constant 0 : i32
    %c0_i32_0 = arith.constant 0 : i32
    %c0_i32_1 = arith.constant 0 : i32
    return %c0_i32, %c0_i32_0 : i32, i32
  }
  func.func @transform_5(%arg0: i32) -> (i32, i32) {
    %c0_i32 = arith.constant 0 : i32
    %c0_i32_0 = arith.constant 0 : i32
    %c0_i32_1 = arith.constant 0 : i32
    return %c0_i32, %c0_i32_0 : i32, i32
  }
  func.func @transform_6(%arg0: i32) -> (i32, i32) {
    %c0_i32 = arith.constant 0 : i32
    %c0_i32_0 = arith.constant 0 : i32
    %c0_i32_1 = arith.constant 0 : i32
    return %c0_i32, %c0_i32_0 : i32, i32
  }
  func.func @transform_7(%arg0: i32) -> (i32, i32) {
    %c0_i32 = arith.constant 0 : i32
    %c0_i32_0 = arith.constant 0 : i32
    %c0_i32_1 = arith.constant 0 : i32
    return %c0_i32, %c0_i32_0 : i32, i32
  }
  func.func @transform_8(%arg0: i32) -> (i32, i32) {
    %c0_i32 = arith.constant 0 : i32
    %c0_i32_0 = arith.constant 0 : i32
    %c0_i32_1 = arith.constant 0 : i32
    return %c0_i32, %c0_i32_0 : i32, i32
  }
  func.func @transform_9(%arg0: i32) -> (i32, i32) {
    %c0_i32 = arith.constant 0 : i32
    %c0_i32_0 = arith.constant 0 : i32
    %c0_i32_1 = arith.constant 0 : i32
    return %c0_i32, %c0_i32_0 : i32, i32
  }
  func.func @transform_10(%arg0: i32) -> (i32, i32, i32) {
    %c0_i32 = arith.constant 0 : i32
    %c0_i32_0 = arith.constant 0 : i32
    %c0_i32_1 = arith.constant 0 : i32
    return %c0_i32, %arg0, %c0_i32_0 : i32, i32, i32
  }
}

module attributes {stable_mosaic.version = 14 : i64} {
  func.func @_final_body(%arg0: i32, %arg1: memref<4x256x128xf32, #tpu.memory_space<vmem>>, %arg2: memref<2x256xi32, #tpu.memory_space<vmem>>, %arg3: memref<256x256xf32, #tpu.memory_space<vmem>>, %arg4: memref<256x256xf32, #tpu.memory_space<vmem>>) attributes {dimension_semantics = [#tpu.dimension_semantics<arbitrary>], iteration_bounds = array<i64: 40>, scalar_prefetch = 0 : i64, scratch_operands = 0 : i64, tpu.core_type = #tpu.core_type<tc>, window_params = [{transform_indices = @transform_0, window_bounds = array<i64: 4, 256, 128>}, {transform_indices = @transform_1, window_bounds = array<i64: 2, 256>}, {transform_indices = @transform_2, window_bounds = array<i64: 256, 256>}, {transform_indices = @transform_3, window_bounds = array<i64: 256, 256>}]} {
    %get3A = arith.constant 0 : index
    %get3A_0 = arith.constant 0 : index
    %get3A_1 = vector.load %arg2[%get3A, %get3A_0] : memref<2x256xi32, #tpu.memory_space<vmem>>, vector<2x256xi32>
    %slice3A = vector.extract_strided_slice %get3A_1 {offsets = [0, 0], sizes = [1, 256], strides = [1, 1]} : vector<2x256xi32> to vector<1x256xi32>
    %squeeze3A = vector.shape_cast %slice3A : vector<1x256xi32> to vector<256xi32>
    %slice3A_2 = vector.extract_strided_slice %get3A_1 {offsets = [1, 0], sizes = [1, 256], strides = [1, 1]} : vector<2x256xi32> to vector<1x256xi32>
    %squeeze3A_3 = vector.shape_cast %slice3A_2 : vector<1x256xi32> to vector<256xi32>
    %add3A = arith.addi %squeeze3A, %squeeze3A_3 : vector<256xi32>
    %add3A_4 = arith.constant 1 : i32
    %add3A_5 = vector.broadcast %add3A_4 : i32 to vector<256xi32>
    %add3A_6 = arith.addi %add3A, %add3A_5 : vector<256xi32>
    %convert_element_type3A = arith.sitofp %add3A_6 : vector<256xi32> to vector<256xf32>
    %rsqrt3A = math.rsqrt %convert_element_type3A : vector<256xf32>
    %broadcast_in_dim3A = vector.shape_cast %rsqrt3A : vector<256xf32> to vector<256x1xf32>
    %div3A = arith.constant 1.000000e+00 : f32
    %div3A_7 = vector.broadcast %div3A : f32 to vector<256xf32>
    %div3A_8 = arith.divf %div3A_7, %convert_element_type3A : vector<256xf32>
    %broadcast_in_dim3A_9 = vector.shape_cast %div3A_8 : vector<256xf32> to vector<256x1xf32>
    %get3A_10 = arith.constant 0 : index
    %get3A_11 = arith.constant 0 : index
    %get3A_12 = arith.constant 0 : index
    %get3A_13 = vector.load %arg1[%get3A_10, %get3A_11, %get3A_12] : memref<4x256x128xf32, #tpu.memory_space<vmem>>, vector<1x256x128xf32>
    %get3A_14 = vector.shape_cast %get3A_13 : vector<1x256x128xf32> to vector<256x128xf32>
    %get3A_15 = arith.constant 1 : index
    %get3A_16 = arith.constant 0 : index
    %get3A_17 = arith.constant 0 : index
    %get3A_18 = vector.load %arg1[%get3A_15, %get3A_16, %get3A_17] : memref<4x256x128xf32, #tpu.memory_space<vmem>>, vector<1x256x128xf32>
    %get3A_19 = vector.shape_cast %get3A_18 : vector<1x256x128xf32> to vector<256x128xf32>
    %concatenate3A = tpu.concatenate %get3A_14, %get3A_19 in 1 : vector<256x128xf32>, vector<256x128xf32> -> vector<256x256xf32>
    %mul3A = vector.broadcast %broadcast_in_dim3A : vector<256x1xf32> to vector<256x256xf32>
    %mul3A_20 = arith.mulf %mul3A, %concatenate3A : vector<256x256xf32>
    %get3A_21 = arith.constant 2 : index
    %get3A_22 = arith.constant 0 : index
    %get3A_23 = arith.constant 0 : index
    %get3A_24 = vector.load %arg1[%get3A_21, %get3A_22, %get3A_23] : memref<4x256x128xf32, #tpu.memory_space<vmem>>, vector<1x256x128xf32>
    %get3A_25 = vector.shape_cast %get3A_24 : vector<1x256x128xf32> to vector<256x128xf32>
    %get3A_26 = arith.constant 3 : index
    %get3A_27 = arith.constant 0 : index
    %get3A_28 = arith.constant 0 : index
    %get3A_29 = vector.load %arg1[%get3A_26, %get3A_27, %get3A_28] : memref<4x256x128xf32, #tpu.memory_space<vmem>>, vector<1x256x128xf32>
    %get3A_30 = vector.shape_cast %get3A_29 : vector<1x256x128xf32> to vector<256x128xf32>
    %concatenate3A_31 = tpu.concatenate %get3A_25, %get3A_30 in 1 : vector<256x128xf32>, vector<256x128xf32> -> vector<256x256xf32>
    %mul3A_32 = vector.broadcast %broadcast_in_dim3A_9 : vector<256x1xf32> to vector<256x256xf32>
    %mul3A_33 = arith.mulf %mul3A_32, %concatenate3A_31 : vector<256x256xf32>
    %get3A_34 = arith.constant 0 : index
    %get3A_35 = arith.constant 0 : index
    %get3A_36 = vector.load %arg3[%get3A_34, %get3A_35] : memref<256x256xf32, #tpu.memory_space<vmem>>, vector<256x256xf32>
    %sqrt3A = math.sqrt %mul3A_33 : vector<256x256xf32>
    %mul3A_37 = arith.mulf %get3A_36, %sqrt3A : vector<256x256xf32>
    %add3A_38 = arith.addf %mul3A_20, %mul3A_37 : vector<256x256xf32>
    %reduce_max3A = arith.constant dense<0xFF800000> : vector<256xf32>
    %reduce_max3A_39 = vector.multi_reduction <maximumf>, %add3A_38, %reduce_max3A [1] : vector<256x256xf32> to vector<256xf32>
    %broadcast_in_dim3A_40 = vector.shape_cast %reduce_max3A_39 : vector<256xf32> to vector<256x1xf32>
    %sub3A = vector.broadcast %broadcast_in_dim3A_40 : vector<256x1xf32> to vector<256x256xf32>
    %sub3A_41 = arith.subf %add3A_38, %sub3A : vector<256x256xf32>
    %exp3A = math.exp %sub3A_41 : vector<256x256xf32>
    %reduce_sum3A = arith.constant dense<0.000000e+00> : vector<256xf32>
    %reduce_sum3A_42 = vector.multi_reduction <add>, %exp3A, %reduce_sum3A [1] : vector<256x256xf32> to vector<256xf32>
    %broadcast_in_dim3A_43 = vector.shape_cast %reduce_sum3A_42 : vector<256xf32> to vector<256x1xf32>
    %log3A = math.log %broadcast_in_dim3A_43 : vector<256x1xf32>
    %add3A_44 = arith.addf %log3A, %broadcast_in_dim3A_40 : vector<256x1xf32>
    %sub3A_45 = vector.broadcast %add3A_44 : vector<256x1xf32> to vector<256x256xf32>
    %sub3A_46 = arith.subf %add3A_38, %sub3A_45 : vector<256x256xf32>
    %swap3A = arith.constant 0 : index
    %swap3A_47 = arith.constant 0 : index
    %swap3A_48 = vector.load %arg4[%swap3A, %swap3A_47] : memref<256x256xf32, #tpu.memory_space<vmem>>, vector<256x256xf32>
    tpu.vector_store %arg4[%swap3A, %swap3A_47], %sub3A_46 {strides = array<i32>} : memref<256x256xf32, #tpu.memory_space<vmem>>, vector<256x256xf32>,
    return
  }
  func.func @transform_0(%arg0: i32) -> (i32, i32, i32) {
    %c0_i32 = arith.constant 0 : i32
    %c0_i32_0 = arith.constant 0 : i32
    %c0_i32_1 = arith.constant 0 : i32
    return %c0_i32, %arg0, %c0_i32_0 : i32, i32, i32
  }
  func.func @transform_1(%arg0: i32) -> (i32, i32) {
    %c0_i32 = arith.constant 0 : i32
    %c0_i32_0 = arith.constant 0 : i32
    return %c0_i32, %arg0 : i32, i32
  }
  func.func @transform_2(%arg0: i32) -> (i32, i32) {
    %c0_i32 = arith.constant 0 : i32
    %c0_i32_0 = arith.constant 0 : i32
    return %arg0, %c0_i32 : i32, i32
  }
  func.func @transform_3(%arg0: i32) -> (i32, i32) {
    %c0_i32 = arith.constant 0 : i32
    %c0_i32_0 = arith.constant 0 : i32
    return %arg0, %c0_i32 : i32, i32
  }
}

</mosaic_0001>

<sc_bundles>
// kernel: kernel.6.cloned.1.call-start
scs
__scs_entry_jumppad:
0x0: {  	(pc) =	sbr.rel $0x88, $3  }
0x1: {  	(tag) =	ssettag $0x0;
	lr =	simm.s32 $0x1  }
0x2: {  	[smem:$0x3F97] =	sst lr;
	_ =	strace $0xD0000000  }
0x3: {  	_ = 	snop  }
0x4: {  	_ = 	snop  }
0x5: {  	_ = 	snop  }
0x6: {  	_ = 	snop  }
0x7: {  	_ = 	snop  }
__scs_overlays_trampoline_lowered:
0x8: {  	[smem:$0x3FA6] =	sst s0  }
0x9: {  	[smem:$0x3FA7] =	sst s1  }
0xa: {  	[smem:$0x3FA8] =	sst s2  }
0xb: {  	[smem:$0x3FA9] =	sst s3  }
0xc: {  	[smem:$0x3FAA] =	sst s4  }
0xd: {  	[smem:$0x3FAB] =	sst s5  }
0xe: {  	[smem:$0x3FAC] =	sst s6  }
0xf: {  	[smem:$0x3FAD] =	sst s7  }
0x10: {  	[smem:$0x3FAE] =	sst s8  }
0x11: {  	[smem:$0x3FAF] =	sst s9;
	s0 =	simm.s32 @!p0 $0x0  }
0x12: {  	s1 =	sld [smem:$0x3F95];
	s0 =	simm.s32 @p0 $0x1  }
0x13: {  	[smem:$0x3FB0] =	sst s0;
	s0 =	simm.s32 @!p1 $0x0  }
0x14: {  	s2 =	sld [smem:$0x3F94];
	s0 =	simm.s32 @p1 $0x1  }
0x15: {  	[smem:$0x3FB1] =	sst s0;
	s0 =	simm.s32 @!p2 $0x0  }
0x16: {  	s3 =	sld [smem:$0x3FDB];
	s0 =	simm.s32 @p2 $0x1  }
0x17: {  	s4 =	simm.s32 $0x1BF5;
	[smem:$0x3FB3] =	sst s0  }
0x18: {  	s0 =	sld [smem:$0x3F96];
	_ =	swait.ge [sflag:s4], $0x0  }
0x19: {  	s7 =	sld [smem:$0x3F97]  }
0x1a: {  	s8 =	sadd.s32 $0xFFFFE003, lr  }
0x1b: {  	s9 =	sadd.s32 $0xFFFFFEF7, lr;
	s5 =	simm.s32 $0xFFFFFFFF;
	p2 =	slt.u32 s8, $0xFFFFF086  }
0x1c: {  	p1 =	slt.u32 s9, $0xF7A;
	s5 =	simm.s32 @!p2 $0x0  }
0x1d: {  	s5 =	simm.s32 @p1 $0x1;
	p0 =	seq.s32 s7, s2  }
0x1e: {  	s7 =	smul.u32 @!p0 $0xF7A, s2;
	p2 =	seq.s32 @!p0 s5, $0x0  }
0x1f: {  	s9 =	smul.u32 $0xF7A, s1;
	s8 =	simm.s32 @!p0 $0x1BF5;
	p2 =	por !p2, p0  }
0x20: {  	[sflag:s8] =	ssyncset.s32 @!p0 $0xFFFFF086;
	s6 =	sadd.s32 @!p0 s3, s7;
	s7 =	simm.s32 @!p0 $0x108  }
0x21: {  	s3 =	sadd.s32 s3, s9;
	s6 =	sadd.s32 @!p0 $0x88, s6;
	s7 =	simm.s32 @p2 $0x1082  }
0x22: {  	[simem:s7], [sflag:s8] =	dma.local @!p0 [hbm:s6], $0xF7A  }
0x23: {  	s9 =	sor.u32 $0xD0000000, s2;
	s6 =	simm.s32 $0x108;
	_ =	swait.ge @!p0 [sflag:s8], $0x0  }
0x24: {  	s3 =	sadd.s32 $0x88, s3;
	s6 =	simm.s32 @!p1 $0x1082;
	[sflag:s4] =	ssyncset.s32 $0xFFFFF086  }
0x25: {  	[simem:s6], [sflag:s4] =	dma.local [hbm:s3], $0xF7A  }
0x26: {  	[smem:$0x3F97] =	sst s1;
	(tag) =	ssettag s2;
	_ =	strace s9  }
0x27: {  	s1 =	sld [smem:$0x3FA7]  }
0x28: {  	s2 =	sld [smem:$0x3FA8]  }
0x29: {  	s4 =	sld [smem:$0x3FAA]  }
0x2a: {  	p0 =	seq.s32 s5, $0x0;
	s5 =	sld [smem:$0x3FAB]  }
0x2b: {  	s6 =	sld [smem:$0x3FAC]  }
0x2c: {  	s7 =	sld [smem:$0x3FAD]  }
0x2d: {  	s3 =	simm.s32 $0x108;
	s8 =	sld [smem:$0x3FAE]  }
0x2e: {  	s3 =	simm.s32 @!p0 $0x1082;
	s9 =	sld [smem:$0x3FAF]  }
0x2f: {  	lr =	sadd.s32 s0, s3;
	s0 =	sld [smem:$0x3FA6]  }
0x30: {  	s3 =	sld [smem:$0x3FA9]  }
0x31: {  	[smem:$0x3FB2] =	sst s10  }
0x32: {  	s10 =	sld [smem:$0x3FB0];
	_ =	sdelay $0x3  }
0x33: {  	p0 =	seq.s32 s10, $0x1;
	s10 =	sld [smem:$0x3FB2];
	_ =	sdelay $0x3  }
0x34: {  	[smem:$0x3FB2] =	sst s10  }
0x35: {  	s10 =	sld [smem:$0x3FB1];
	_ =	sdelay $0x3  }
0x36: {  	p1 =	seq.s32 s10, $0x1;
	s10 =	sld [smem:$0x3FB2];
	_ =	sdelay $0x3  }
0x37: {  	[smem:$0x3FB2] =	sst s10  }
0x38: {  	s10 =	sld [smem:$0x3FB3]  }
0x39: {  	_ = 	snop;
	(pc) =	sbr.ind lr, $3  }
0x3a: {  	_ = 	snop  }
0x3b: {  	_ = 	snop  }
0x3c: {  	p2 =	seq.s32 s10, $0x1;
	s10 =	sld [smem:$0x3FB2]  }
0x3d: {  	_ =	shalt  }
0x3e: {  	_ =	shalt  }
0x3f: {  	_ =	shalt  }
0x40: {  	_ =	shalt  }
0x41: {  	_ =	shalt  }
0x42: {  	_ =	shalt  }
0x43: {  	_ =	shalt  }
0x44: {  	_ =	shalt  }
0x45: {  	_ =	shalt  }
0x46: {  	_ =	shalt  }
0x47: {  	_ =	shalt  }
0x48: {  	_ =	shalt  }
0x49: {  	_ =	shalt  }
0x4a: {  	_ =	shalt  }
0x4b: {  	_ =	shalt  }
0x4c: {  	_ =	shalt  }
0x4d: {  	_ =	shalt  }
0x4e: {  	_ =	shalt  }
0x4f: {  	_ =	shalt  }
0x50: {  	_ =	shalt  }
0x51: {  	_ =	shalt  }
0x52: {  	_ =	shalt  }
0x53: {  	_ =	shalt  }
0x54: {  	_ =	shalt  }
0x55: {  	_ =	shalt  }
0x56: {  	_ =	shalt  }
0x57: {  	_ =	shalt  }
0x58: {  	_ =	shalt  }
0x59: {  	_ =	shalt  }
0x5a: {  	_ =	shalt  }
0x5b: {  	_ =	shalt  }
0x5c: {  	_ =	shalt  }
0x5d: {  	_ =	shalt  }
0x5e: {  	_ =	shalt  }
0x5f: {  	_ =	shalt  }
0x60: {  	_ =	shalt  }
0x61: {  	_ =	shalt  }
0x62: {  	_ =	shalt  }
0x63: {  	_ =	shalt  }
0x64: {  	_ =	shalt  }
0x65: {  	_ =	shalt  }
0x66: {  	_ =	shalt  }
0x67: {  	_ =	shalt  }
0x68: {  	_ =	shalt  }
0x69: {  	_ =	shalt  }
0x6a: {  	_ =	shalt  }
0x6b: {  	_ =	shalt  }
0x6c: {  	_ =	shalt  }
0x6d: {  	_ =	shalt  }
0x6e: {  	_ =	shalt  }
0x6f: {  	_ =	shalt  }
0x70: {  	_ =	shalt  }
0x71: {  	_ =	shalt  }
0x72: {  	_ =	shalt  }
0x73: {  	_ =	shalt  }
0x74: {  	_ =	shalt  }
0x75: {  	_ =	shalt  }
0x76: {  	_ =	shalt  }
0x77: {  	_ =	shalt  }
0x78: {  	_ =	shalt  }
0x79: {  	_ =	shalt  }
0x7a: {  	_ =	shalt  }
0x7b: {  	_ =	shalt  }
0x7c: {  	_ =	shalt  }
0x7d: {  	_ =	shalt  }
0x7e: {  	_ =	shalt  }
0x7f: {  	_ =	shalt  }
0x80: {  	_ =	shalt  }
0x81: {  	_ =	shalt  }
0x82: {  	_ =	shalt  }
0x83: {  	_ =	shalt  }
0x84: {  	_ =	shalt  }
0x85: {  	_ =	shalt  }
0x86: {  	_ =	shalt  }
0x87: {  	_ =	shalt  }
.Lfunc_end0:
.L_simem_size_0:
called_computation_lowered:
.L_overlay_start_0:
0x88: {  	s2 =	sld [smem:$0x3FD9]  }
0x89: {  	s3 =	sld [smem:$0x3FFE];
	_ =	sdelay $0x1  }
0x8a: {  	s1 =	srdreg.scid  }
0x8b: {  	s0 =	sand.u32 $0x1, s1  }
0x8c: {  	s16 =	sshll.u32 s0, $0xA;
	s2 =	sadd.s32 s3, s2  }
0x8d: {  	s2 =	sadd.s32 s2, s16  }
0x8e: {  	[smem:$0x3FBE] =	sst s2  }
0x8f: {  	_ = 	snop  }
0x90: {  	(tm) =	ssettm $0x1  }
0x91: {  	s17 =	sld [smem:$0x3FFB];
	_ =	sdelay $0x3  }
0x92: {  	_ =	strace s17  }
0x93: {  	s2 =	sld [smem:$0x3FFC];
	_ =	sdelay $0x3  }
0x94: {  	_ =	strace s2  }
0x95: {  	s2 =	sld [smem:$0x3FFD];
	_ =	sdelay $0x3  }
0x96: {  	_ =	strace s2  }
0x97: {  	_ =	strace $0x8FFFFFFF  }
0x98: {  	s18 =	sld [smem:$0x3FDB];
	_ =	sdelay $0x1  }
0x99: {  	s19 =	simm.s32 $_scs_section_size  }
0x9a: {  	s4 =	simm.s32 $_size__tile_overlayer_lowered;
	s5 =	simm.s32 $_tile_overlayer_lowered  }
0x9b: {  	s22 =	simm.s32 $0x1BFF;
	s21 =	sshll.u32 s5, $0x1;
	s2 =	sadd.s32 s19, s18  }
0x9c: {  	s6 =	simm.s32 $0x0;
	s20 =	sshll.u32 s4, $0x1;
	s4 =	sadd.s32 s21, s2  }
0x9d: {  	[timem:s6], [sflag:s22] =	dma.local [hbm:s4], s20  }
0x9e: {  	_ =	swait.ge [sflag:s22], s20  }
0x9f: {  	s3 =	ssub.s32 $0x0, s20;
	[sflag:s22] =	ssyncset.done $0x0  }
0xa0: {  	[sflag:s22] =	ssyncadd.s32 s3;
	_ =	sdelay $0x1  }
0xa1: {  	s23 =	simm.s32 $0x1B8B  }
0xa2: {  	_ =	swait.ge [sflag:s23], $0x1  }
0xa3: {  	[sflag:s23] =	ssyncset.done $0x0  }
0xa4: {  	s25 =	simm.s32 $0x1B8E;
	s24 =	sld [smem:$0x3FFE];
	[sflag:s23] =	ssyncadd.s32 $0xFFFFFFFF  }
0xa5: {  	s26 =	simm.s32 $execute0_lowered;
	[smem:$0x3FD2] =	sst s25  }
0xa6: {  	s4 =	sshll.u32 s26, $0x1;
	_ =	strace $0x80000046;
	[dreg:$0x1] =	wrdreg $0xFFFFFFFF  }
0xa7: {  	s28 =	simm.s32 $_size_execute0_lowered;
	s2 =	sadd.s32 s2, s4;
	[dreg:$0x0] =	wrdreg $0x0  }
0xa8: {  	s4 =	sshll.u32 s28, $0x1;
	[dreg:$0x2] =	wrdreg s2  }
0xa9: {  	[dreg:$0x3] =	wrdreg s4  }
0xaa: {  	[dreg:$0x4] =	wrdreg $0xC0  }
0xab: {  	_ =	task [dreg:s6], $0x5FFFF  }
0xac: {  	[dreg:$0x1] =	wrdreg $0xFFFFFFFF  }
0xad: {  	[dreg:$0x0] =	wrdreg $0x60  }
0xae: {  	[dreg:$0x2] =	wrdreg s24  }
0xaf: {  	[dreg:$0x3] =	wrdreg $0x40900  }
0xb0: {  	[dreg:$0x4] =	wrdreg $0x9  }
0xb1: {  	_ =	task.clear_ibuf [dreg:s6], $0x5FFFF;
	_ =	strace $0x90000046  }
0xb2: {  	s29 =	simm.s32 $0x9;
	_ =	strace $0x80000048  }
0xb3: {  	_ =	swait.ge [sflag:s29], $0x1  }
0xb4: {  	[sflag:s29] =	ssyncadd.s32 $0xFFFFFFFF  }
0xb5: {  	_ =	strace $0x90000048  }
0xb6: {  	_ =	sfence  }
0xb7: {  	s30 =	sld [smem:$0x0];
	_ =	sdelay $0x2  }
0xb8: {  	s31 =	sshll.u32 s1, $0xD;
	s1 =	sshrl.u32 s1, $0x2  }
0xb9: {  	s3 =	sand.u32 $0x4000, s31;
	s1 =	sadd.s32 s1, s30  }
0xba: {  	s0 =	sor.u32 s3, s0;
	s1 =	sshll.u32 s1, $0x11  }
0xbb: {  	s0 =	sor.u32 s1, s0  }
0xbc: {  	s0 =	sadd.s32 $0x8F2B, s0  }
0xbd: {  	[sflag:s0] =	ssyncadd.remote.s32 $0x1  }
0xbe: {  	_ =	sfence.sel $0xFFFF  }
0xbf: {  	[dreg:$0x0] =	wrdreg $0xFFFFFFFF;
	(pc) =	sbr.abs _section_cstart, $3  }
0xc0: {  	[dreg:$0x1] =	wrdreg $0xFFFFFFFF  }
0xc1: {  	_ =	task.clear_ibuf [dreg:s6], $0x2FFFF;
	_ =	strace $0x9FFFFFFF  }
0xc2: {  	(tm) =	ssettm $0x7FFFFFFF  }
0xc3: {  	_ =	shalt  }
tec
execute0_lowered:
.L_overlay_start_1:
0x0: {  	(tag) =	ssettag $0x1  }
0x1: {  	s3 =	rddreg [dreg:$0x0]  }
0x2: {  	s5 =	rddreg [dreg:$0x1];
	s1 =	srdreg.scid  }
0x3: {  	s0 =	rddreg [dreg:$0x2];
	s4 =	sand.u32 $0x1, s1  }
0x4: {  	s2 =	simm.s32 $0x0;
	s1 =	stileid.u32;
	s7 =	smul.u32 $0x2800, s4  }
0x5: {  	s11 =	simm.s32 $0x3B90;
	s12 =	simm.s32 $0x0;
	s8 =	smul.u32 $0x280, s1  }
0x6: {  	[smem:$0x7FF] =	sst s2;
	s6 =	sshll.u32 s4, $0x4;
	s29 =	smul.u32 $0xA000, s1  }
0x7: {  	s4 =	ssub.s32 $0x2, s4;
	s10 =	smul.u32 $0xA00, s1;
	s6 =	sor.u32 s1, s6  }
0x8: {  	_ =	strace $0x80000047;
	s9 =	sshrl.u32 s4, $0x1;
	s6 =	smul.u32 $0x272, s6  }
0x9: {  	s7 =	sadd.s32 s8, s7;
	s9 =	ssub.s32 s4, s9;
	s30 =	sshrl.u32 s29, $0x2  }
0xa: {  	s31 =	sshrl.u32 s10, $0x2;
	s8 =	simm.s32 $0x1;
	s10 =	simm.s32 $0x3E10  }
0xb: {  	s7 =	sshrl.u32 s7, $0x3;
	s4 =	sadd.s32 s30, s5;
	s6 =	sadd.s32 s6, s3  }
0xc: {  	s5 =	sadd.s32 s31, s5;
	s7 =	sadd.s32 s7, s3;
	s3 =	sadd.s32 $0x1E00, s6  }
0xd: {  	v0 =	vimm.s32 $0x0;
	v1 =	vimm.s32 $0x1;
	s6 =	sadd.s32 $0x6E00, s7;
	s7 =	smax.u32 s9, $0x1;
	s9 =	simm.s32 $0x1390  }
.LBB2_1:
0xe: {  	[tilespmem:s2], [sflag:$0x1] =	stream.linear.gather [hbm4b:s3+s2], $0x1390, $0x38;
	[tilespmem:$0x6890] =	vst v63  }
0xf: {  	_ =	swait.ge [sflag:s8], $0x1390  }
0x10: {  	[sflag:s8] =	ssyncset.done $0x0  }
0x11: {  	s13 =	simm.s32 $0x0;
	[sflag:s8] =	ssyncadd.s32 $0xFFFFEC70  }
.LBB2_2:
0x12: {  	p0 =	sne.s32 s13, $0x9FC0  }
.Ltmp0:
0x13: {  	_ = 	snop;
	(pc) =	sbr.rel @p0 .LBB2_2-.Ltmp0, $3  }
0x14: {  	_ =	sdelay $0x1  }
0x15: {  	s14 =	sshra.s32 s13, $0x2  }
0x16: {  	s13 =	sadd.s32 $0x40, s13;
	[tilespmem:s14+$0x1390] =	vst v0  }
0x17: {  	s14 =	simm.s32 $0x0;
	s13 =	simm.s32 $0x40  }
.LBB2_4:
0x18: {  	p0 =	sne.s32 s13, $0x4E00;
	v2 =	vld [tilespmem:s14+$0x0];
	_ =	sdelay $0x3  }
.Ltmp1:
0x19: {  	(pc) =	sbr.rel @p0 .LBB2_4-.Ltmp1, $2  }
0x1a: {  	_ =	sdelay $0x2  }
0x1b: {  	s14 =	sshra.s32 s13, $0x2;
	s13 =	sadd.s32 $0x40, s13;
	[tilespmem:v2+s9+$0x0] =	vst.idx.add.s32.msk $0xffff, v1  }
0x1c: {  	v2 =	vld [tilespmem:s14+$0x0];
	_ =	sdelay $0x7  }
0x1d: {  	[tilespmem:v2+s9+$0x0] =	vst.idx.add.s32.msk $0xffff, v1  }
0x1e: {  	[spmem:s4] =	stream.linear.scatter [tilespmem:s9], [sflag:$0x1], $0x2800, $0x38;
	[tilespmem:$0x6890] =	vst v63  }
0x1f: {  	_ =	swait.ge [sflag:s8], $0x2800  }
0x20: {  	[sflag:s8] =	ssyncset.done $0x0  }
0x21: {  	[sflag:s8] =	ssyncadd.s32 $0xFFFFD800  }
0x22: {  	[bflag:$0x0] =	sbarrier.arrive $0xFFFF  }
0x23: {  	[tilespmem:$0x3B90] =	vst v0  }
0x24: {  	[tilespmem:$0x3BA0] =	vst v0  }
0x25: {  	[tilespmem:$0x3BB0] =	vst v0  }
0x26: {  	[tilespmem:$0x3BC0] =	vst v0  }
0x27: {  	[tilespmem:$0x3BD0] =	vst v0  }
0x28: {  	[tilespmem:$0x3BE0] =	vst v0  }
0x29: {  	[tilespmem:$0x3BF0] =	vst v0  }
0x2a: {  	[tilespmem:$0x3C00] =	vst v0  }
0x2b: {  	[tilespmem:$0x3C10] =	vst v0  }
0x2c: {  	[tilespmem:$0x3C20] =	vst v0  }
0x2d: {  	[tilespmem:$0x3C30] =	vst v0  }
0x2e: {  	[tilespmem:$0x3C40] =	vst v0  }
0x2f: {  	[tilespmem:$0x3C50] =	vst v0  }
0x30: {  	[tilespmem:$0x3C60] =	vst v0  }
0x31: {  	[tilespmem:$0x3C70] =	vst v0  }
0x32: {  	[tilespmem:$0x3C80] =	vst v0  }
0x33: {  	[tilespmem:$0x3C90] =	vst v0  }
0x34: {  	[tilespmem:$0x3CA0] =	vst v0  }
0x35: {  	[tilespmem:$0x3CB0] =	vst v0  }
0x36: {  	[tilespmem:$0x3CC0] =	vst v0  }
0x37: {  	[tilespmem:$0x3CD0] =	vst v0  }
0x38: {  	[tilespmem:$0x3CE0] =	vst v0  }
0x39: {  	[tilespmem:$0x3CF0] =	vst v0  }
0x3a: {  	[tilespmem:$0x3D00] =	vst v0  }
0x3b: {  	[tilespmem:$0x3D10] =	vst v0  }
0x3c: {  	[tilespmem:$0x3D20] =	vst v0  }
0x3d: {  	[tilespmem:$0x3D30] =	vst v0  }
0x3e: {  	[tilespmem:$0x3D40] =	vst v0  }
0x3f: {  	[tilespmem:$0x3D50] =	vst v0  }
0x40: {  	[tilespmem:$0x3D60] =	vst v0  }
0x41: {  	[tilespmem:$0x3D70] =	vst v0  }
0x42: {  	[tilespmem:$0x3D80] =	vst v0  }
0x43: {  	[tilespmem:$0x3D90] =	vst v0  }
0x44: {  	[tilespmem:$0x3DA0] =	vst v0  }
0x45: {  	[tilespmem:$0x3DB0] =	vst v0  }
0x46: {  	[tilespmem:$0x3DC0] =	vst v0  }
0x47: {  	[tilespmem:$0x3DD0] =	vst v0  }
0x48: {  	[tilespmem:$0x3DE0] =	vst v0  }
0x49: {  	[tilespmem:$0x3DF0] =	vst v0  }
0x4a: {  	s13 =	simm.s32 $0x0;
	[tilespmem:$0x3E00] =	vst v0  }
.LBB2_6:
0x4b: {  	s14 =	smul.u32 $0xA000, s13;
	_ =	sdelay $0x1  }
0x4c: {  	s14 =	sshra.s32 s14, $0x2  }
0x4d: {  	s14 =	sadd.s32 s14, s5  }
0x4e: {  	[tilespmem:s10], [sflag:$0x1] =	stream.linear.gather [spmem:s14], $0x280, $0x38;
	[tilespmem:$0x6890] =	vst v63  }
0x4f: {  	_ =	swait.ge [sflag:s8], $0x280  }
0x50: {  	[sflag:s8] =	ssyncset.done $0x0  }
0x51: {  	s14 =	simm.s32 $0x0;
	[sflag:s8] =	ssyncadd.s32 $0xFFFFFD80  }
0x52: {  	s15 =	simm.s32 $0x40;
	v2 =	vld [tilespmem:s14+$0x3E10]  }
.LBB2_7:
0x53: {  	p0 =	sne.s32 s15, $0x9C0;
	v3 =	vld [tilespmem:s14+$0x3B90];
	_ =	sdelay $0x1  }
.Ltmp2:
0x54: {  	(pc) =	sbr.rel @p0 .LBB2_7-.Ltmp2, $3  }
0x55: {  	_ =	sdelay $0x1  }
0x56: {  	s16 =	sshra.s32 s15, $0x2;
	v3 =	vadd.s32 v3, v2  }
0x57: {  	s15 =	sadd.s32 $0x40, s15;
	v2 =	vld [tilespmem:s16+$0x3E10];
	[tilespmem:s14+$0x3B90] =	vst v3;
	s14 =	smov.u32 s16  }
0x58: {  	v3 =	vld [tilespmem:s14+$0x3B90];
	s13 =	sadd.s32 $0x1, s13  }
0x59: {  	p0 =	sne.s32 s13, $0x10  }
.Ltmp3:
0x5a: {  	_ = 	snop;
	(pc) =	sbr.rel @p0 .LBB2_6-.Ltmp3, $3  }
0x5b: {  	_ =	sdelay $0x1  }
0x5c: {  	v2 =	vadd.s32 v3, v2  }
0x5d: {  	[tilespmem:s14+$0x3B90] =	vst v2  }
0x5e: {  	s12 =	sadd.s32 $0x1, s12  }
0x5f: {  	p0 =	sne.s32 s12, s7  }
.Ltmp4:
0x60: {  	_ = 	snop;
	(pc) =	sbr.rel @p0 .LBB2_1-.Ltmp4, $4  }
0x61: {  	[hbm4b:s6+s2] =	stream.linear.scatter [tilespmem:s11], [sflag:$0x1], $0x280, $0x38;
	[tilespmem:$0x6890] =	vst v63  }
0x62: {  	_ =	swait.ge [sflag:s8], $0x280  }
0x63: {  	[sflag:s8] =	ssyncset.done $0x0  }
0x64: {  	[sflag:s8] =	ssyncadd.s32 $0xFFFFFD80  }
0x65: {  	_ =	sfence.sel $0x180000  }
0x66: {  	[bflag:$0x0] =	sbarrier.arrive $0xFFFF  }
0x67: {  	p0 =	sne.s32 s1, $0x0;
	_ =	strace $0x90000047  }
0x68: {  	s0 =	sadd.s32 @!p0 $0x100000, s0;
	[bflag:$0x2] =	sbarrier.arrive $0xFFFF  }
0x69: {  	[sflag:s0] =	ssyncadd.tile.s32 @!p0 $0x1;
	_ =	shalt  }
.Lfunc_end2:
_tile_overlayer_lowered:
.L_overlay_start_2:
0x6a: {  	(tag) =	ssettag $0x2  }
0x6b: {  	s0 =	rddreg [dreg:$0x0];
	s2 =	stileid.u32  }
0x6c: {  	s1 =	rddreg [dreg:$0x1];
	p0 =	sne.s32 s2, $0x0  }
0x6d: {  	s3 =	rddreg [dreg:$0x2];
	[bflag:$0x3] =	sbarrier.arrive $0xFFFF;
	s2 =	simm.s32 @!p0 $0x1C01  }
0x6e: {  	[timem:s3], [sflag:s2] =	dma.local @!p0 [hbm:s0], s1  }
0x6f: {  	s0 =	simm.s32 @!p0 $0x1  }
0x70: {  	_ =	swait.ge @!p0 [sflag:s0], s1  }
0x71: {  	s1 =	ssub.s32 @!p0 $0x0, s1;
	[sflag:s0] =	ssyncset.done @!p0 $0x0  }
0x72: {  	[sflag:s0] =	ssyncadd.s32 @!p0 s1  }
0x73: {  	[bflag:$0x3] =	sbarrier.arrive $0xFFFF  }
0x74: {  	_ =	shalt  }

// kernel: kernel.9.cloned.1.call-start
scs
__scs_entry_jumppad:
0x0: {  	(pc) =	sbr.rel $0x88, $3  }
0x1: {  	(tag) =	ssettag $0x0;
	lr =	simm.s32 $0x1  }
0x2: {  	[smem:$0x3F97] =	sst lr;
	_ =	strace $0xD0000000  }
0x3: {  	_ = 	snop  }
0x4: {  	_ = 	snop  }
0x5: {  	_ = 	snop  }
0x6: {  	_ = 	snop  }
0x7: {  	_ = 	snop  }
__scs_overlays_trampoline_lowered:
0x8: {  	[smem:$0x3FA6] =	sst s0  }
0x9: {  	[smem:$0x3FA7] =	sst s1  }
0xa: {  	[smem:$0x3FA8] =	sst s2  }
0xb: {  	[smem:$0x3FA9] =	sst s3  }
0xc: {  	[smem:$0x3FAA] =	sst s4  }
0xd: {  	[smem:$0x3FAB] =	sst s5  }
0xe: {  	[smem:$0x3FAC] =	sst s6  }
0xf: {  	[smem:$0x3FAD] =	sst s7  }
0x10: {  	[smem:$0x3FAE] =	sst s8  }
0x11: {  	[smem:$0x3FAF] =	sst s9;
	s0 =	simm.s32 @!p0 $0x0  }
0x12: {  	s1 =	sld [smem:$0x3F95];
	s0 =	simm.s32 @p0 $0x1  }
0x13: {  	[smem:$0x3FB0] =	sst s0;
	s0 =	simm.s32 @!p1 $0x0  }
0x14: {  	s2 =	sld [smem:$0x3F94];
	s0 =	simm.s32 @p1 $0x1  }
0x15: {  	[smem:$0x3FB1] =	sst s0;
	s0 =	simm.s32 @!p2 $0x0  }
0x16: {  	s3 =	sld [smem:$0x3FDB];
	s0 =	simm.s32 @p2 $0x1  }
0x17: {  	s4 =	simm.s32 $0x1BF5;
	[smem:$0x3FB3] =	sst s0  }
0x18: {  	s0 =	sld [smem:$0x3F96];
	_ =	swait.ge [sflag:s4], $0x0  }
0x19: {  	s7 =	sld [smem:$0x3F97]  }
0x1a: {  	s8 =	sadd.s32 $0xFFFFE003, lr  }
0x1b: {  	s9 =	sadd.s32 $0xFFFFFEF7, lr;
	s5 =	simm.s32 $0xFFFFFFFF;
	p2 =	slt.u32 s8, $0xFFFFF086  }
0x1c: {  	p1 =	slt.u32 s9, $0xF7A;
	s5 =	simm.s32 @!p2 $0x0  }
0x1d: {  	s5 =	simm.s32 @p1 $0x1;
	p0 =	seq.s32 s7, s2  }
0x1e: {  	s7 =	smul.u32 @!p0 $0xF7A, s2;
	p2 =	seq.s32 @!p0 s5, $0x0  }
0x1f: {  	s9 =	smul.u32 $0xF7A, s1;
	s8 =	simm.s32 @!p0 $0x1BF5;
	p2 =	por !p2, p0  }
0x20: {  	[sflag:s8] =	ssyncset.s32 @!p0 $0xFFFFF086;
	s6 =	sadd.s32 @!p0 s3, s7;
	s7 =	simm.s32 @!p0 $0x108  }
0x21: {  	s3 =	sadd.s32 s3, s9;
	s6 =	sadd.s32 @!p0 $0x88, s6;
	s7 =	simm.s32 @p2 $0x1082  }
0x22: {  	[simem:s7], [sflag:s8] =	dma.local @!p0 [hbm:s6], $0xF7A  }
0x23: {  	s9 =	sor.u32 $0xD0000000, s2;
	s6 =	simm.s32 $0x108;
	_ =	swait.ge @!p0 [sflag:s8], $0x0  }
0x24: {  	s3 =	sadd.s32 $0x88, s3;
	s6 =	simm.s32 @!p1 $0x1082;
	[sflag:s4] =	ssyncset.s32 $0xFFFFF086  }
0x25: {  	[simem:s6], [sflag:s4] =	dma.local [hbm:s3], $0xF7A  }
0x26: {  	[smem:$0x3F97] =	sst s1;
	(tag) =	ssettag s2;
	_ =	strace s9  }
0x27: {  	s1 =	sld [smem:$0x3FA7]  }
0x28: {  	s2 =	sld [smem:$0x3FA8]  }
0x29: {  	s4 =	sld [smem:$0x3FAA]  }
0x2a: {  	p0 =	seq.s32 s5, $0x0;
	s5 =	sld [smem:$0x3FAB]  }
0x2b: {  	s6 =	sld [smem:$0x3FAC]  }
0x2c: {  	s7 =	sld [smem:$0x3FAD]  }
0x2d: {  	s3 =	simm.s32 $0x108;
	s8 =	sld [smem:$0x3FAE]  }
0x2e: {  	s3 =	simm.s32 @!p0 $0x1082;
	s9 =	sld [smem:$0x3FAF]  }
0x2f: {  	lr =	sadd.s32 s0, s3;
	s0 =	sld [smem:$0x3FA6]  }
0x30: {  	s3 =	sld [smem:$0x3FA9]  }
0x31: {  	[smem:$0x3FB2] =	sst s10  }
0x32: {  	s10 =	sld [smem:$0x3FB0];
	_ =	sdelay $0x3  }
0x33: {  	p0 =	seq.s32 s10, $0x1;
	s10 =	sld [smem:$0x3FB2];
	_ =	sdelay $0x3  }
0x34: {  	[smem:$0x3FB2] =	sst s10  }
0x35: {  	s10 =	sld [smem:$0x3FB1];
	_ =	sdelay $0x3  }
0x36: {  	p1 =	seq.s32 s10, $0x1;
	s10 =	sld [smem:$0x3FB2];
	_ =	sdelay $0x3  }
0x37: {  	[smem:$0x3FB2] =	sst s10  }
0x38: {  	s10 =	sld [smem:$0x3FB3]  }
0x39: {  	_ = 	snop;
	(pc) =	sbr.ind lr, $3  }
0x3a: {  	_ = 	snop  }
0x3b: {  	_ = 	snop  }
0x3c: {  	p2 =	seq.s32 s10, $0x1;
	s10 =	sld [smem:$0x3FB2]  }
0x3d: {  	_ =	shalt  }
0x3e: {  	_ =	shalt  }
0x3f: {  	_ =	shalt  }
0x40: {  	_ =	shalt  }
0x41: {  	_ =	shalt  }
0x42: {  	_ =	shalt  }
0x43: {  	_ =	shalt  }
0x44: {  	_ =	shalt  }
0x45: {  	_ =	shalt  }
0x46: {  	_ =	shalt  }
0x47: {  	_ =	shalt  }
0x48: {  	_ =	shalt  }
0x49: {  	_ =	shalt  }
0x4a: {  	_ =	shalt  }
0x4b: {  	_ =	shalt  }
0x4c: {  	_ =	shalt  }
0x4d: {  	_ =	shalt  }
0x4e: {  	_ =	shalt  }
0x4f: {  	_ =	shalt  }
0x50: {  	_ =	shalt  }
0x51: {  	_ =	shalt  }
0x52: {  	_ =	shalt  }
0x53: {  	_ =	shalt  }
0x54: {  	_ =	shalt  }
0x55: {  	_ =	shalt  }
0x56: {  	_ =	shalt  }
0x57: {  	_ =	shalt  }
0x58: {  	_ =	shalt  }
0x59: {  	_ =	shalt  }
0x5a: {  	_ =	shalt  }
0x5b: {  	_ =	shalt  }
0x5c: {  	_ =	shalt  }
0x5d: {  	_ =	shalt  }
0x5e: {  	_ =	shalt  }
0x5f: {  	_ =	shalt  }
0x60: {  	_ =	shalt  }
0x61: {  	_ =	shalt  }
0x62: {  	_ =	shalt  }
0x63: {  	_ =	shalt  }
0x64: {  	_ =	shalt  }
0x65: {  	_ =	shalt  }
0x66: {  	_ =	shalt  }
0x67: {  	_ =	shalt  }
0x68: {  	_ =	shalt  }
0x69: {  	_ =	shalt  }
0x6a: {  	_ =	shalt  }
0x6b: {  	_ =	shalt  }
0x6c: {  	_ =	shalt  }
0x6d: {  	_ =	shalt  }
0x6e: {  	_ =	shalt  }
0x6f: {  	_ =	shalt  }
0x70: {  	_ =	shalt  }
0x71: {  	_ =	shalt  }
0x72: {  	_ =	shalt  }
0x73: {  	_ =	shalt  }
0x74: {  	_ =	shalt  }
0x75: {  	_ =	shalt  }
0x76: {  	_ =	shalt  }
0x77: {  	_ =	shalt  }
0x78: {  	_ =	shalt  }
0x79: {  	_ =	shalt  }
0x7a: {  	_ =	shalt  }
0x7b: {  	_ =	shalt  }
0x7c: {  	_ =	shalt  }
0x7d: {  	_ =	shalt  }
0x7e: {  	_ =	shalt  }
0x7f: {  	_ =	shalt  }
0x80: {  	_ =	shalt  }
0x81: {  	_ =	shalt  }
0x82: {  	_ =	shalt  }
0x83: {  	_ =	shalt  }
0x84: {  	_ =	shalt  }
0x85: {  	_ =	shalt  }
0x86: {  	_ =	shalt  }
0x87: {  	_ =	shalt  }
.Lfunc_end0:
.L_simem_size_0:
called_computation.1_lowered:
.L_overlay_start_0:
0x88: {  	s2 =	sld [smem:$0x3FD9]  }
0x89: {  	s3 =	sld [smem:$0x3FFE];
	_ =	sdelay $0x1  }
0x8a: {  	s1 =	srdreg.scid  }
0x8b: {  	s0 =	sand.u32 $0x1, s1  }
0x8c: {  	s17 =	sshll.u32 s0, $0xA;
	s2 =	sadd.s32 s3, s2  }
0x8d: {  	s2 =	sadd.s32 s2, s17  }
0x8e: {  	[smem:$0x3FBE] =	sst s2  }
0x8f: {  	_ = 	snop  }
0x90: {  	s2 =	sld [smem:$0x3FD0];
	(tm) =	ssettm $0x1  }
0x91: {  	s18 =	sld [smem:$0x3FFB];
	_ =	sdelay $0x3  }
0x92: {  	_ =	strace s18  }
0x93: {  	s3 =	sld [smem:$0x3FFC];
	_ =	sdelay $0x3  }
0x94: {  	_ =	strace s3  }
0x95: {  	s3 =	sld [smem:$0x3FFD];
	_ =	sdelay $0x3  }
0x96: {  	_ =	strace s3  }
0x97: {  	_ =	strace $0x8FFFFFFF  }
0x98: {  	s19 =	sld [smem:$0x3FDB];
	_ =	sdelay $0x1  }
0x99: {  	s4 =	simm.s32 $_scs_section_size  }
0x9a: {  	s5 =	simm.s32 $_size__tile_overlayer_lowered;
	s6 =	simm.s32 $_tile_overlayer_lowered  }
0x9b: {  	s22 =	simm.s32 $0x1BFF;
	s21 =	sshll.u32 s6, $0x1;
	s3 =	sadd.s32 s4, s19  }
0x9c: {  	s7 =	simm.s32 $0x0;
	s20 =	sshll.u32 s5, $0x1;
	s5 =	sadd.s32 s21, s3  }
0x9d: {  	[timem:s7], [sflag:s22] =	dma.local [hbm:s5], s20  }
0x9e: {  	_ =	swait.ge [sflag:s22], s20  }
0x9f: {  	s4 =	ssub.s32 $0x0, s20;
	[sflag:s22] =	ssyncset.done $0x0  }
0xa0: {  	[sflag:s22] =	ssyncadd.s32 s4;
	_ =	sdelay $0x1  }
0xa1: {  	s23 =	simm.s32 $0x1B8B  }
0xa2: {  	_ =	swait.ge [sflag:s23], $0x1  }
0xa3: {  	[sflag:s23] =	ssyncset.done $0x0  }
0xa4: {  	s25 =	simm.s32 $0x1B8E;
	s24 =	sld [smem:$0x3FFE];
	[sflag:s23] =	ssyncadd.s32 $0xFFFFFFFF  }
0xa5: {  	s26 =	simm.s32 $execute0_lowered;
	[smem:$0x3FD2] =	sst s25  }
0xa6: {  	s5 =	sshll.u32 s26, $0x1;
	_ =	strace $0x80000049;
	[dreg:$0x1] =	wrdreg $0xFFFFFFFF  }
0xa7: {  	s28 =	simm.s32 $_size_execute0_lowered;
	s3 =	sadd.s32 s3, s5;
	[dreg:$0x0] =	wrdreg $0x0  }
0xa8: {  	s5 =	sshll.u32 s28, $0x1;
	[dreg:$0x2] =	wrdreg s3  }
0xa9: {  	[dreg:$0x3] =	wrdreg s5  }
0xaa: {  	[dreg:$0x4] =	wrdreg $0xC0  }
0xab: {  	_ =	task [dreg:s7], $0x5FFFF  }
0xac: {  	[dreg:$0x1] =	wrdreg $0xFFFFFFFF  }
0xad: {  	[dreg:$0x0] =	wrdreg $0x60  }
0xae: {  	[dreg:$0x2] =	wrdreg s24  }
0xaf: {  	[dreg:$0x3] =	wrdreg s2  }
0xb0: {  	[dreg:$0x4] =	wrdreg $0xBB800  }
0xb1: {  	[dreg:$0x5] =	wrdreg $0x9  }
0xb2: {  	_ =	task.clear_ibuf [dreg:s7], $0x6FFFF;
	_ =	strace $0x90000049  }
0xb3: {  	s29 =	simm.s32 $0x9;
	_ =	strace $0x8000004B  }
0xb4: {  	_ =	swait.ge [sflag:s29], $0x1  }
0xb5: {  	[sflag:s29] =	ssyncadd.s32 $0xFFFFFFFF  }
0xb6: {  	_ =	strace $0x9000004B  }
0xb7: {  	_ =	sfence  }
0xb8: {  	s30 =	sld [smem:$0x0];
	_ =	sdelay $0x2  }
0xb9: {  	s31 =	sshll.u32 s1, $0xD;
	s1 =	sshrl.u32 s1, $0x2  }
0xba: {  	s3 =	sand.u32 $0x4000, s31;
	s1 =	sadd.s32 s1, s30  }
0xbb: {  	s0 =	sor.u32 s3, s0;
	s1 =	sshll.u32 s1, $0x11  }
0xbc: {  	s0 =	sor.u32 s1, s0  }
0xbd: {  	s0 =	sadd.s32 $0x8F2B, s0  }
0xbe: {  	[sflag:s0] =	ssyncadd.remote.s32 $0x1  }
0xbf: {  	_ =	sfence.sel $0xFFFF  }
0xc0: {  	[dreg:$0x0] =	wrdreg $0xFFFFFFFF;
	(pc) =	sbr.abs _section_cstart, $3  }
0xc1: {  	[dreg:$0x1] =	wrdreg $0xFFFFFFFF  }
0xc2: {  	_ =	task.clear_ibuf [dreg:s7], $0x2FFFF;
	_ =	strace $0x9FFFFFFF  }
0xc3: {  	(tm) =	ssettm $0x7FFFFFFF  }
tec
execute0_lowered:
.L_overlay_start_1:
0x0: {  	(tag) =	ssettag $0x1  }
0x1: {  	s3 =	rddreg [dreg:$0x0]  }
0x2: {  	s4 =	rddreg [dreg:$0x1]  }
0x3: {  	s5 =	rddreg [dreg:$0x2]  }
0x4: {  	s0 =	rddreg [dreg:$0x3]  }
0x5: {  	s2 =	simm.s32 $0x0;
	s1 =	stileid.u32;
	s6 =	srdreg.scid  }
0x6: {  	s16 =	simm.s32 $0x32;
	s17 =	simm.s32 $0x5780;
	s18 =	simm.s32 $0x38  }
0x7: {  	s19 =	simm.s32 $0x7080;
	s20 =	simm.s32 $0x70;
	s21 =	simm.s32 $0x8980  }
0x8: {  	s22 =	simm.s32 $0x1;
	s23 =	simm.s32 $0x0;
	s7 =	smul.u32 $0x578, s1  }
0x9: {  	[smem:$0x7FF] =	sst s2;
	s6 =	sand.u32 $0x1, s6;
	s9 =	smul.u32 $0x13880, s1  }
0xa: {  	s10 =	sadd.s32 $0xD000, s3;
	s13 =	sadd.s32 $0xA9400, s3;
	s14 =	sshll.u32 s1, $0x6  }
0xb: {  	_ =	strace $0x8000004A;
	s8 =	ssub.s32 $0x2, s6;
	s6 =	smul.u32 $0x138800, s6  }
0xc: {  	s14 =	sor.u32 $0x1C02, s14;
	s11 =	sshrl.u32 s8, $0x1;
	s12 =	sadd.s32 s7, s3  }
0xd: {  	s3 =	sadd.s32 s4, s7;
	s15 =	sadd.s32 s9, s5;
	s11 =	ssub.s32 s8, s11  }
0xe: {  	s4 =	sadd.s32 $0x7800, s12;
	s28 =	sadd.s32 s9, s6;
	s29 =	sadd.s32 $0x271000, s6  }
0xf: {  	s6 =	sshrl.u32 s6, $0x3;
	s12 =	simm.s32 $0x2;
	s15 =	sshrl.u32 s15, $0x3  }
0x10: {  	s7 =	sshrl.u32 s28, $0x3;
	s9 =	sadd.s32 s9, s29;
	s6 =	sadd.s32 s10, s6  }
0x11: {  	s31 =	sshrl.u32 s29, $0x3;
	s11 =	smax.u32 s11, $0x1;
	s5 =	sadd.s32 s10, s7  }
0x12: {  	s30 =	sshrl.u32 s9, $0x3;
	s7 =	sadd.s32 s13, s7;
	s9 =	sadd.s32 s10, s31  }
0x13: {  	s8 =	sadd.s32 s10, s30;
	s10 =	sadd.s32 s13, s30;
	s13 =	simm.s32 $0x2BC0  }
.LBB2_1:
0x14: {  	[tilespmem:s2], [sflag:$0x2] =	stream.linear.gather [hbm4b:s3+s2], $0x2BC0, $0x38;
	[tilespmem:$0x1F400] =	vst v63  }
0x15: {  	_ =	swait.ge [sflag:s12], $0x2BC0  }
0x16: {  	[sflag:s12] =	ssyncset.done $0x0  }
0x17: {  	[sflag:s12] =	ssyncadd.s32 $0xFFFFD440  }
0x18: {  	[tilespmem:s13], [sflag:$0x2] =	stream.linear.gather [hbm4b:s4+s2], $0x2BC0, $0x38;
	[tilespmem:$0x1F400] =	vst v63  }
0x19: {  	_ =	swait.ge [sflag:s12], $0x2BC0  }
0x1a: {  	[sflag:s12] =	ssyncset.done $0x0  }
0x1b: {  	[sflag:s12] =	ssyncadd.s32 $0xFFFFD440  }
0x1c: {  	[spmem:s15], [sflag:s14] =	dma.local [hbm:s5], $0x2710  }
0x1d: {  	_ =	swait.ge [sflag:s12], $0x2710  }
0x1e: {  	[sflag:s12] =	ssyncset.done $0x0  }
0x1f: {  	[sflag:s12] =	ssyncadd.s32 $0xFFFFD8F0  }
0x20: {  	s25 =	simm.s32 $0x3;
	p0 =	por $0x0, $0x0;
	[bflag:$0x0] =	sbarrier.arrive $0xFFFF  }
0x21: {  	[tilespmem:s17], [sflag:$0x1] =	stream.indirect.gather [hbm4b:s6+s16], $0x80, s2, s16, $0xb8;
	[tilespmem:$0x1F400] =	vst v63  }
0x22: {  	s26 =	sand.u32 @!p0 $0x3, s25  }
0x23: {  	[tilespmem:s19], [sflag:$0x1] =	stream.indirect.gather [hbm4b:s6+s16], $0x80, s18, s16, $0xb8;
	[tilespmem:$0x1F400] =	vst v63  }
0x24: {  	s26 =	smul.u32 @!p0 $0x6400, s26  }
0x25: {  	[tilespmem:s21], [sflag:$0x1] =	stream.indirect.gather [hbm4b:s6+s16], $0x80, s20, s16, $0xb8;
	[tilespmem:$0x1F400] =	vst v63  }
0x26: {  	s24 =	simm.s32 $0xA8;
	s25 =	simm.s32 $0x4;
	_ =	swait.ge [sflag:s22], $0x1900  }
.LBB2_2:
0x27: {  	s28 =	sadd.s32 $0xFFFFFFFD, s25;
	[sflag:s22] =	ssyncset.done $0x0;
	s26 =	sshrl.u32 @!p0 s26, $0x2  }
0x28: {  	s29 =	smov.u32 s25;
	s30 =	simm.s32 @!p0 $0x32;
	s25 =	sadd.s32 $0x1, s25  }
0x29: {  	[sflag:s22] =	ssyncadd.s32 $0xFFFFE700;
	s26 =	sadd.s32 @!p0 $0x5780, s26;
	p1 =	sne.s32 s25, $0xCB  }
0x2a: {  	[tilespmem:s26], [sflag:$0x1] =	stream.indirect.gather @!p0 [hbm4b:s6+s30], $0x80, s24, s30, $0xb8;
	[tilespmem:$0x1F400] =	vst v63  }
.Ltmp0:
0x2b: {  	_ = 	snop;
	(pc) =	sbr.rel @p1 .LBB2_2-.Ltmp0, $4  }
0x2c: {  	p0 =	sgt.u32 s28, $0xC4;
	_ =	swait.ge [sflag:s22], $0x1900  }
0x2d: {  	s26 =	sand.u32 @!p0 $0x3, s29  }
0x2e: {  	s26 =	smul.u32 @!p0 $0x6400, s26  }
0x2f: {  	s24 =	sadd.s32 $0x38, s24  }
0x30: {  	[sflag:s22] =	ssyncset.done $0x0;
	s25 =	sshrl.u32 @!p0 s26, $0x2  }
0x31: {  	s26 =	simm.s32 @!p0 $0x32;
	[sflag:s22] =	ssyncadd.s32 $0xFFFFE700;
	s25 =	sadd.s32 @!p0 $0x5780, s25  }
0x32: {  	[tilespmem:s25], [sflag:$0x1] =	stream.indirect.gather @!p0 [hbm4b:s6+s26], $0x80, s24, s26, $0xb8;
	[tilespmem:$0x1F400] =	vst v63  }
0x33: {  	[bflag:$0x0] =	sbarrier.arrive $0xFFFF  }
0x34: {  	[hbm:s7], [sflag:s14] =	dma.local [spmem:s15], $0x2710  }
0x35: {  	_ =	swait.ge [sflag:s12], $0x2710  }
0x36: {  	[sflag:s12] =	ssyncset.done $0x0  }
0x37: {  	[sflag:s12] =	ssyncadd.s32 $0xFFFFD8F0  }
0x38: {  	[bflag:$0x0] =	sbarrier.arrive $0xFFFF  }
0x39: {  	[spmem:s15], [sflag:s14] =	dma.local [hbm:s8], $0x2710  }
0x3a: {  	_ =	swait.ge [sflag:s12], $0x2710  }
0x3b: {  	[sflag:s12] =	ssyncset.done $0x0  }
0x3c: {  	[sflag:s12] =	ssyncadd.s32 $0xFFFFD8F0  }
0x3d: {  	s25 =	simm.s32 $0x3;
	p0 =	por $0x0, $0x0;
	[bflag:$0x0] =	sbarrier.arrive $0xFFFF  }
0x3e: {  	[tilespmem:s17], [sflag:$0x1] =	stream.indirect.gather [hbm4b:s9+s16], $0x80, s2, s16, $0xb8;
	[tilespmem:$0x1F400] =	vst v63  }
0x3f: {  	s26 =	sand.u32 @!p0 $0x3, s25  }
0x40: {  	[tilespmem:s19], [sflag:$0x1] =	stream.indirect.gather [hbm4b:s9+s16], $0x80, s18, s16, $0xb8;
	[tilespmem:$0x1F400] =	vst v63  }
0x41: {  	s26 =	smul.u32 @!p0 $0x6400, s26  }
0x42: {  	[tilespmem:s21], [sflag:$0x1] =	stream.indirect.gather [hbm4b:s9+s16], $0x80, s20, s16, $0xb8;
	[tilespmem:$0x1F400] =	vst v63  }
0x43: {  	s24 =	simm.s32 $0xA8;
	s25 =	simm.s32 $0x4;
	_ =	swait.ge [sflag:s22], $0x1900  }
.LBB2_4:
0x44: {  	s28 =	sadd.s32 $0xFFFFFFFD, s25;
	[sflag:s22] =	ssyncset.done $0x0;
	s26 =	sshrl.u32 @!p0 s26, $0x2  }
0x45: {  	s29 =	smov.u32 s25;
	s30 =	simm.s32 @!p0 $0x32;
	s25 =	sadd.s32 $0x1, s25  }
0x46: {  	[sflag:s22] =	ssyncadd.s32 $0xFFFFE700;
	s26 =	sadd.s32 @!p0 $0x5780, s26;
	p1 =	sne.s32 s25, $0xCB  }
0x47: {  	[tilespmem:s26], [sflag:$0x1] =	stream.indirect.gather @!p0 [hbm4b:s9+s30], $0x80, s24, s30, $0xb8;
	[tilespmem:$0x1F400] =	vst v63  }
.Ltmp1:
0x48: {  	_ = 	snop;
	(pc) =	sbr.rel @p1 .LBB2_4-.Ltmp1, $4  }
0x49: {  	p0 =	sgt.u32 s28, $0xC4;
	_ =	swait.ge [sflag:s22], $0x1900  }
0x4a: {  	s26 =	sand.u32 @!p0 $0x3, s29  }
0x4b: {  	s26 =	smul.u32 @!p0 $0x6400, s26  }
0x4c: {  	s24 =	sadd.s32 $0x38, s24  }
0x4d: {  	[sflag:s22] =	ssyncset.done $0x0;
	s25 =	sshrl.u32 @!p0 s26, $0x2;
	s26 =	simm.s32 @!p0 $0x32  }
0x4e: {  	s23 =	sadd.s32 $0x1, s23;
	[sflag:s22] =	ssyncadd.s32 $0xFFFFE700;
	s25 =	sadd.s32 @!p0 $0x5780, s25  }
0x4f: {  	[tilespmem:s25], [sflag:$0x1] =	stream.indirect.gather @!p0 [hbm4b:s9+s26], $0x80, s24, s26, $0xb8;
	[tilespmem:$0x1F400] =	vst v63  }
0x50: {  	p0 =	sne.s32 s23, s11;
	[bflag:$0x0] =	sbarrier.arrive $0xFFFF  }
0x51: {  	[hbm:s10], [sflag:s14] =	dma.local [spmem:s15], $0x2710  }
.Ltmp2:
0x52: {  	_ =	swait.ge [sflag:s12], $0x2710;
	(pc) =	sbr.rel @p0 .LBB2_1-.Ltmp2, $3  }
0x53: {  	[sflag:s12] =	ssyncset.done $0x0  }
0x54: {  	[sflag:s12] =	ssyncadd.s32 $0xFFFFD8F0  }
0x55: {  	[bflag:$0x0] =	sbarrier.arrive $0xFFFF;
	_ =	sdelay $0x1  }
0x56: {  	_ =	sfence.sel $0x180000  }
0x57: {  	[bflag:$0x0] =	sbarrier.arrive $0xFFFF  }
0x58: {  	p0 =	sne.s32 s1, $0x0;
	_ =	strace $0x9000004A  }
0x59: {  	s0 =	sadd.s32 @!p0 $0x100000, s0;
	[bflag:$0x2] =	sbarrier.arrive $0xFFFF  }
0x5a: {  	[sflag:s0] =	ssyncadd.tile.s32 @!p0 $0x1;
	_ =	shalt  }
.Lfunc_end2:
_tile_overlayer_lowered:
.L_overlay_start_2:
0x5b: {  	(tag) =	ssettag $0x2  }
0x5c: {  	s0 =	rddreg [dreg:$0x0];
	s2 =	stileid.u32  }
0x5d: {  	s1 =	rddreg [dreg:$0x1];
	p0 =	sne.s32 s2, $0x0  }
0x5e: {  	s3 =	rddreg [dreg:$0x2];
	[bflag:$0x3] =	sbarrier.arrive $0xFFFF;
	s2 =	simm.s32 @!p0 $0x1C02  }
0x5f: {  	[timem:s3], [sflag:s2] =	dma.local @!p0 [hbm:s0], s1  }
0x60: {  	s0 =	simm.s32 @!p0 $0x2  }
0x61: {  	_ =	swait.ge @!p0 [sflag:s0], s1  }
0x62: {  	s1 =	ssub.s32 @!p0 $0x0, s1;
	[sflag:s0] =	ssyncset.done @!p0 $0x0  }
0x63: {  	[sflag:s0] =	ssyncadd.s32 @!p0 s1  }
0x64: {  	[bflag:$0x3] =	sbarrier.arrive $0xFFFF  }
0x65: {  	_ =	shalt  }

</sc_bundles>
